<compile_context>
chip_gen: v7x
topology: tpu7x:2x2x1
jax: 0.10.2.dev20260603
libtpu: 0.0.44.dev20260713+nightly
codegen_flags: <defaults>
</compile_context>

<pallas_src>
import functools

import jax
import jax.numpy as jnp
from jax import lax
from jax.experimental import pallas as pl
from jax.experimental.pallas import tpu as pltpu
from jax.experimental.pallas import tpu_sc as plsc

N = 512
E = 32768
D = 128
G = 32

NC = 2
NS = 16
NW = NC * NS
EPT = E // NW
CHUNK = 128
NCHUNK = EPT // CHUNK
ROWS_PER_TILE = N // NS
WORDS_PER_TILE = ROWS_PER_TILE * N
ZW = 2048
CBLK = 4


def _stage_a(obs_ref, wemb_ref, bemb_ref, wgat_ref, asrc_ref, adst_ref,
             local_ref, h_ref, as_ref, ad_ref):
    dn = (((1,), (1,)), ((), ()))
    local = jnp.tanh(
        lax.dot_general(obs_ref[...], wemb_ref[...], dn,
                        preferred_element_type=jnp.float32) + bemb_ref[...])
    h = lax.dot_general(local, wgat_ref[...], dn,
                        preferred_element_type=jnp.float32)
    local_ref[...] = local
    h_ref[...] = h
    as_ref[...] = jnp.sum(h * asrc_ref[...][None, :], axis=1)
    ad_ref[...] = jnp.sum(h * adst_ref[...][None, :], axis=1)


def _sc_edge(edge_hbm, out_hbm,
             srcv, dstv, wbuf, fbuf, zbuf, wacc,
             sem_z, sem_in, sem_sc, sem_out):
    cid = lax.axis_index("c")
    sid = lax.axis_index("s")
    wid = cid * NS + sid
    base = wid * EPT

    c_in = [
        pltpu.async_copy(edge_hbm.at[0, pl.ds(base, EPT)], srcv, sem_in),
        pltpu.async_copy(edge_hbm.at[1, pl.ds(base, EPT)], dstv, sem_in),
    ]

    def zlane(t, _):
        zbuf[pl.ds(t * 16, 16)] = jnp.zeros((16,), jnp.float32)
        return _
    lax.fori_loop(0, ZW // 16, zlane, 0)
    c_z = [
        pltpu.async_copy(
            zbuf, wacc.at[pl.ds(sid * WORDS_PER_TILE + r * ZW, ZW)], sem_z)
        for r in range(WORDS_PER_TILE // ZW)
    ]
    def olane(t, _):
        wbuf[0, pl.ds(t * 16, 16)] = jnp.ones((16,), jnp.float32)
        return _
    lax.fori_loop(0, CHUNK // 16, olane, 0)
    for c in c_in:
        c.wait()

    for j in range(NCHUNK):
        def body(t, _):
            sl = pl.ds(j * CHUNK + t * 16, 16)
            sv = srcv[sl]
            dv = dstv[sl]
            fbuf[j, pl.ds(t * 16, 16)] = (dv << 9) | sv
            return _
        lax.fori_loop(0, CHUNK // 16, body, 0)

    for c in c_z:
        c.wait()
    plsc.subcore_barrier()

    c_sc = [
        pltpu.async_copy(wbuf.at[0], wacc.at[fbuf.at[j]], sem_sc, add=True)
        for j in range(NCHUNK)
    ]
    for c in c_sc:
        c.wait()
    plsc.subcore_barrier()

    pltpu.async_copy(
        wacc.at[pl.ds(sid * WORDS_PER_TILE, WORDS_PER_TILE)],
        out_hbm.at[wid],
        sem_out).wait()


def _stage_c(wp_ref, as_ref, ad_ref, h_ref, local_ref, bgat_ref, core_ref, gid_ref,
             wq_ref, bq_ref, wk_ref, bk_ref, wv_ref, bv_ref, wo_ref, bo_ref,
             out_ref):
    dn = (((1,), (1,)), ((), ()))
    C = (wp_ref[0:NS, :].reshape(N, N)
         + wp_ref[NS:2 * NS, :].reshape(N, N))
    emat = ad_ref[...][:, None] + as_ref[...][None, :]
    emat = jnp.maximum(emat, 0.2 * emat)
    W = C * jnp.exp(emat)
    h = h_ref[...]
    num = jnp.dot(W, h, preferred_element_type=jnp.float32)
    den = jnp.sum(W, axis=1, keepdims=True)
    intra = jnp.tanh(num / (den + 1e-16) + bgat_ref[...])
    cn = core_ref[...]
    oh_c = (lax.broadcasted_iota(jnp.int32, (G, N), 1)
            == cn[:, None]).astype(jnp.float32)
    core = jnp.dot(oh_c, intra, preferred_element_type=jnp.float32)
    q = lax.dot_general(core, wq_ref[...], dn,
                        preferred_element_type=jnp.float32) + bq_ref[...]
    k = lax.dot_general(core, wk_ref[...], dn,
                        preferred_element_type=jnp.float32) + bk_ref[...]
    v = lax.dot_general(core, wv_ref[...], dn,
                        preferred_element_type=jnp.float32) + bv_ref[...]
    scores = lax.dot_general(q, k, dn, preferred_element_type=jnp.float32)
    scores = scores / jnp.sqrt(jnp.float32(D))
    scores = scores - jnp.max(scores, axis=1, keepdims=True)
    ex = jnp.exp(scores)
    attn = ex / jnp.sum(ex, axis=1, keepdims=True)
    av = jnp.dot(attn, v, preferred_element_type=jnp.float32)
    go = lax.dot_general(av, wo_ref[...], dn,
                         preferred_element_type=jnp.float32) + bo_ref[...]
    gid = gid_ref[...]
    oh_g = (lax.broadcasted_iota(jnp.int32, (N, G), 1)
            == gid[:, None]).astype(jnp.float32)
    inter = jnp.dot(oh_g, go, preferred_element_type=jnp.float32)
    out_ref[:, 0:D] = local_ref[...]
    out_ref[:, D:2 * D] = inter
    out_ref[:, 2 * D:3 * D] = intra


@functools.cache
def _sc_edge_call():
    return functools.partial(
        pl.kernel,
        mesh=plsc.VectorSubcoreMesh(core_axis_name="c", subcore_axis_name="s"),
        out_type=jax.ShapeDtypeStruct((NW, WORDS_PER_TILE), jnp.float32),
        compiler_params=pltpu.CompilerParams(needs_layout_passes=False),
        scratch_types=[
            pltpu.VMEM((EPT,), jnp.int32),
            pltpu.VMEM((EPT,), jnp.int32),
            pltpu.VMEM((1, CHUNK), jnp.float32),
            pltpu.VMEM((NCHUNK, CHUNK), jnp.int32),
            pltpu.VMEM((ZW,), jnp.float32),
            pltpu.VMEM_SHARED((N * N,), jnp.float32),
            pltpu.SemaphoreType.DMA,
            pltpu.SemaphoreType.DMA,
            pltpu.SemaphoreType.DMA,
            pltpu.SemaphoreType.DMA,
        ],
    )(_sc_edge)


def kernel(local_obs, edge_index, core_node, group_ids, W_emb, b_emb, W_gat,
           att_src, att_dst, b_gat, Wq, bq, Wk, bk, Wv, bv, Wo, bo):
    f32 = jnp.float32
    local, h, a_s, a_d = pl.pallas_call(
        _stage_a,
        out_shape=[
            jax.ShapeDtypeStruct((N, D), f32),
            jax.ShapeDtypeStruct((N, D), f32),
            jax.ShapeDtypeStruct((N,), f32),
            jax.ShapeDtypeStruct((N,), f32),
        ],
    )(local_obs, W_emb, b_emb, W_gat, att_src, att_dst)

    w_partial = _sc_edge_call()(edge_index)

    out = pl.pallas_call(
        _stage_c,
        out_shape=jax.ShapeDtypeStruct((N, 3 * D), f32),
    )(w_partial, a_s, a_d, h, local, b_gat, core_node, group_ids,
      Wq, bq, Wk, bk, Wv, bv, Wo, bo)
    return out

# --- scband reference (transcript-rebuilt; emitter-appended) ---
"""Pipeline reference for scband-tie-comm-agent-2224793060052 (READ-ONLY COPY).

The authoritative reference and input builder live on the scoring server;
editing this copy changes nothing except your own understanding.
"""

import jax, jax.numpy as jnp
import numpy as np

N = 512      # n_agents
E = 32768    # n_edges (avg_degree 64)
D = 128      # hid_size
OBS = 128    # obs_shape
G = 32       # number of groups / core nodes


def setup_inputs(seed: int = 0) -> dict:
    key = jax.random.key(seed)
    ks = jax.random.split(key, 24)
    s = 1.0 / np.sqrt(D)
    inp = {}
    inp['local_obs'] = jax.random.normal(ks[0], (N, OBS), dtype=jnp.float32)
    inp['edge_index'] = jax.random.randint(ks[1], (2, E), 0, N, dtype=jnp.int32)
    inp['core_node'] = jax.random.randint(ks[2], (G,), 0, N, dtype=jnp.int32)
    inp['group_ids'] = jnp.sort(jax.random.randint(ks[3], (N,), 0, G, dtype=jnp.int32))
    # learned parameters
    inp['W_emb'] = jax.random.normal(ks[4], (D, OBS), dtype=jnp.float32) * s
    inp['b_emb'] = jnp.zeros((D,), dtype=jnp.float32)
    inp['W_gat'] = jax.random.normal(ks[5], (D, D), dtype=jnp.float32) * s
    inp['att_src'] = jax.random.normal(ks[6], (D,), dtype=jnp.float32) * s
    inp['att_dst'] = jax.random.normal(ks[7], (D,), dtype=jnp.float32) * s
    inp['b_gat'] = jnp.zeros((D,), dtype=jnp.float32)
    inp['Wq'] = jax.random.normal(ks[8], (D, D), dtype=jnp.float32) * s
    inp['bq'] = jnp.zeros((D,), dtype=jnp.float32)
    inp['Wk'] = jax.random.normal(ks[9], (D, D), dtype=jnp.float32) * s
    inp['bk'] = jnp.zeros((D,), dtype=jnp.float32)
    inp['Wv'] = jax.random.normal(ks[10], (D, D), dtype=jnp.float32) * s
    inp['bv'] = jnp.zeros((D,), dtype=jnp.float32)
    inp['Wo'] = jax.random.normal(ks[11], (D, D), dtype=jnp.float32) * s
    inp['bo'] = jnp.zeros((D,), dtype=jnp.float32)
    return inp


def reference(local_obs, edge_index, core_node, group_ids, W_emb, b_emb, W_gat,
              att_src, att_dst, b_gat, Wq, bq, Wk, bk, Wv, bv, Wo, bo):
    # --- AgentAC.local_emb ---
    local = jnp.tanh(local_obs @ W_emb.T + b_emb)
    # --- AgentAC.intra_com : single-head GATConv (add_self_loops=False, concat=False) ---
    h = local @ W_gat.T                      # [N, D]
    a_s = h @ att_src                        # [N]
    a_d = h @ att_dst                        # [N]
    src = edge_index[0]
    dst = edge_index[1]
    e = a_s[src] + a_d[dst]                  # [E]
    e = jnp.where(e > 0, e, 0.2 * e)         # LeakyReLU(0.2)
    m = jax.ops.segment_max(e, dst, num_segments=N)
    m = jnp.where(jnp.isfinite(m), m, 0.0)
    ex = jnp.exp(e - m[dst])
    denom = jax.ops.segment_sum(ex, dst, num_segments=N) + 1e-16
    alpha = ex / denom[dst]                  # softmax over incoming edges per dst
    intra = jax.ops.segment_sum(alpha[:, None] * h[src], dst, num_segments=N) + b_gat
    intra = jnp.tanh(intra)
    # --- AgentAC.inter_com on core nodes (detached, like .clone().detach()) ---
    core = jax.lax.stop_gradient(intra[core_node])   # [G, D]
    q = core @ Wq.T + bq
    k = core @ Wk.T + bk
    v = core @ Wv.T + bv
    attn = jax.nn.softmax(q @ k.T / jnp.sqrt(jnp.float32(D)), axis=-1)
    group_obs = (attn @ v) @ Wo.T + bo               # [G, D]
    # --- broadcast group embedding back to members ---
    inter = group_obs[group_ids]                     # [N, D]
    # --- block == 'no' ---
    after_comm = jnp.concatenate([local, inter, intra], axis=-1)  # [N, 3D]
    return after_comm

if __name__ == "__main__":
    import jax
    _d = setup_inputs()
    print(jax.jit(kernel)(*tuple(_d.values())))

</pallas_src>

<mosaic_0001>
#map = affine_map<(d0, d1) -> (0, 0)>
module attributes {stable_mosaic.version = 14 : i64} {
  func.func @_sc_edge(%arg0: i32, %arg1: i32, %arg2: memref<2x32768xi32, #tpu.memory_space<hbm>>, %arg3: memref<32x16384xf32, #tpu.memory_space<hbm>>, %arg4: memref<1024xi32, #tpu.memory_space<vmem>>, %arg5: memref<1024xi32, #tpu.memory_space<vmem>>, %arg6: memref<1x128xf32, #tpu.memory_space<vmem>>, %arg7: memref<8x128xi32, #tpu.memory_space<vmem>>, %arg8: memref<2048xf32, #tpu.memory_space<vmem>>, %arg9: memref<262144xf32, #tpu.memory_space<vmem_shared>>, %arg10: memref<!tpu.dma_semaphore, #tpu.memory_space<semaphore_mem>>, %arg11: memref<!tpu.dma_semaphore, #tpu.memory_space<semaphore_mem>>, %arg12: memref<!tpu.dma_semaphore, #tpu.memory_space<semaphore_mem>>, %arg13: memref<!tpu.dma_semaphore, #tpu.memory_space<semaphore_mem>>) attributes {dimension_semantics = [#tpu.dimension_semantics<core_parallel>, #tpu.dimension_semantics<subcore_parallel>], iteration_bounds = array<i64: 2, 16>, scalar_prefetch = 0 : i64, scratch_operands = 10 : i64, tpu.core_type = #tpu.core_type<sc_vector_subcore>, window_params = [{transform_indices = #map}, {transform_indices = #map}]} {
    %mul3A = arith.constant 16 : i32
    %mul3A_0 = arith.muli %arg0, %mul3A : i32
    %add3A = arith.addi %mul3A_0, %arg1 : i32
    %mul3A_1 = arith.constant 1024 : i32
    %mul3A_2 = arith.muli %add3A, %mul3A_1 : i32
    %dma_start3A = arith.constant 0 : i32
    %dma_start3A_3 = tpu.memref_slice %arg2[%dma_start3A, %mul3A_2] : memref<2x32768xi32, #tpu.memory_space<hbm>> -> memref<1x1024xi32, #tpu.memory_space<hbm>>
    %dma_start3A_4 = tpu.memref_squeeze %dma_start3A_3 : memref<1x1024xi32, #tpu.memory_space<hbm>> -> memref<1024xi32, #tpu.memory_space<hbm>>
    %dma_start3A_5 = tpu.memref_slice %arg2[%dma_start3A, %mul3A_2] : memref<2x32768xi32, #tpu.memory_space<hbm>> -> memref<1x1024xi32, #tpu.memory_space<hbm>>
    %dma_start3A_6 = tpu.memref_squeeze %dma_start3A_5 : memref<1x1024xi32, #tpu.memory_space<hbm>> -> memref<1024xi32, #tpu.memory_space<hbm>>
    tpu.enqueue_dma source(%dma_start3A_6 : memref<1024xi32, #tpu.memory_space<hbm>>) target(%arg4 : memref<1024xi32, #tpu.memory_space<vmem>>) target_semaphore(%arg11 : memref<!tpu.dma_semaphore, #tpu.memory_space<semaphore_mem>>)
    %dma_start3A_7 = arith.constant 1 : i32
    %dma_start3A_8 = tpu.memref_slice %arg2[%dma_start3A_7, %mul3A_2] : memref<2x32768xi32, #tpu.memory_space<hbm>> -> memref<1x1024xi32, #tpu.memory_space<hbm>>
    %dma_start3A_9 = tpu.memref_squeeze %dma_start3A_8 : memref<1x1024xi32, #tpu.memory_space<hbm>> -> memref<1024xi32, #tpu.memory_space<hbm>>
    %dma_start3A_10 = tpu.memref_slice %arg2[%dma_start3A_7, %mul3A_2] : memref<2x32768xi32, #tpu.memory_space<hbm>> -> memref<1x1024xi32, #tpu.memory_space<hbm>>
    %dma_start3A_11 = tpu.memref_squeeze %dma_start3A_10 : memref<1x1024xi32, #tpu.memory_space<hbm>> -> memref<1024xi32, #tpu.memory_space<hbm>>
    tpu.enqueue_dma source(%dma_start3A_11 : memref<1024xi32, #tpu.memory_space<hbm>>) target(%arg5 : memref<1024xi32, #tpu.memory_space<vmem>>) target_semaphore(%arg11 : memref<!tpu.dma_semaphore, #tpu.memory_space<semaphore_mem>>)
    %scan3A = arith.constant 0 : i32
    %scan3A_12 = arith.constant 0 : i32
    %scan3A_13 = arith.constant 128 : i32
    %scan3A_14 = arith.addi %scan3A_12, %scan3A_13 : i32
    %scan3A_15 = arith.constant 1 : i32
    scf.for %scan3A_315 = %scan3A_12 to %scan3A_14 step %scan3A_15  : i32 {
      %broadcast_in_dim3A = arith.constant 0.000000e+00 : f32
      %broadcast_in_dim3A_316 = vector.broadcast %broadcast_in_dim3A : f32 to vector<16xf32>
      %mul3A_317 = arith.constant 16 : i32
      %mul3A_318 = arith.muli %scan3A_315, %mul3A_317 : i32
      %swap3A = arith.index_cast %mul3A_318 : i32 to index
      %swap3A_319 = tpu.vector_load %arg8[%swap3A] {strides = array<i32>} : memref<2048xf32, #tpu.memory_space<vmem>>, vector<16xf32>,
      tpu.vector_store %arg8[%swap3A], %broadcast_in_dim3A_316 {strides = array<i32>} : memref<2048xf32, #tpu.memory_space<vmem>>, vector<16xf32>,
    }
    %scan3A_16 = arith.constant 128 : i32
    %mul3A_17 = arith.constant 16384 : i32
    %mul3A_18 = arith.muli %arg1, %mul3A_17 : i32
    %add3A_19 = arith.constant 0 : i32
    %add3A_20 = arith.addi %mul3A_18, %add3A_19 : i32
    %dma_start3A_21 = tpu.memref_slice %arg9[%add3A_20] : memref<262144xf32, #tpu.memory_space<vmem_shared>> -> memref<2048xf32, #tpu.memory_space<vmem_shared>>
    %dma_start3A_22 = tpu.memref_slice %arg9[%add3A_20] : memref<262144xf32, #tpu.memory_space<vmem_shared>> -> memref<2048xf32, #tpu.memory_space<vmem_shared>>
    tpu.enqueue_dma source(%arg8 : memref<2048xf32, #tpu.memory_space<vmem>>) target(%dma_start3A_22 : memref<2048xf32, #tpu.memory_space<vmem_shared>>) target_semaphore(%arg10 : memref<!tpu.dma_semaphore, #tpu.memory_space<semaphore_mem>>)
    %mul3A_23 = arith.constant 16384 : i32
    %mul3A_24 = arith.muli %arg1, %mul3A_23 : i32
    %add3A_25 = arith.constant 2048 : i32
    %add3A_26 = arith.addi %mul3A_24, %add3A_25 : i32
    %dma_start3A_27 = tpu.memref_slice %arg9[%add3A_26] : memref<262144xf32, #tpu.memory_space<vmem_shared>> -> memref<2048xf32, #tpu.memory_space<vmem_shared>>
    %dma_start3A_28 = tpu.memref_slice %arg9[%add3A_26] : memref<262144xf32, #tpu.memory_space<vmem_shared>> -> memref<2048xf32, #tpu.memory_space<vmem_shared>>
    tpu.enqueue_dma source(%arg8 : memref<2048xf32, #tpu.memory_space<vmem>>) target(%dma_start3A_28 : memref<2048xf32, #tpu.memory_space<vmem_shared>>) target_semaphore(%arg10 : memref<!tpu.dma_semaphore, #tpu.memory_space<semaphore_mem>>)
    %mul3A_29 = arith.constant 16384 : i32
    %mul3A_30 = arith.muli %arg1, %mul3A_29 : i32
    %add3A_31 = arith.constant 4096 : i32
    %add3A_32 = arith.addi %mul3A_30, %add3A_31 : i32
    %dma_start3A_33 = tpu.memref_slice %arg9[%add3A_32] : memref<262144xf32, #tpu.memory_space<vmem_shared>> -> memref<2048xf32, #tpu.memory_space<vmem_shared>>
    %dma_start3A_34 = tpu.memref_slice %arg9[%add3A_32] : memref<262144xf32, #tpu.memory_space<vmem_shared>> -> memref<2048xf32, #tpu.memory_space<vmem_shared>>
    tpu.enqueue_dma source(%arg8 : memref<2048xf32, #tpu.memory_space<vmem>>) target(%dma_start3A_34 : memref<2048xf32, #tpu.memory_space<vmem_shared>>) target_semaphore(%arg10 : memref<!tpu.dma_semaphore, #tpu.memory_space<semaphore_mem>>)
    %mul3A_35 = arith.constant 16384 : i32
    %mul3A_36 = arith.muli %arg1, %mul3A_35 : i32
    %add3A_37 = arith.constant 6144 : i32
    %add3A_38 = arith.addi %mul3A_36, %add3A_37 : i32
    %dma_start3A_39 = tpu.memref_slice %arg9[%add3A_38] : memref<262144xf32, #tpu.memory_space<vmem_shared>> -> memref<2048xf32, #tpu.memory_space<vmem_shared>>
    %dma_start3A_40 = tpu.memref_slice %arg9[%add3A_38] : memref<262144xf32, #tpu.memory_space<vmem_shared>> -> memref<2048xf32, #tpu.memory_space<vmem_shared>>
    tpu.enqueue_dma source(%arg8 : memref<2048xf32, #tpu.memory_space<vmem>>) target(%dma_start3A_40 : memref<2048xf32, #tpu.memory_space<vmem_shared>>) target_semaphore(%arg10 : memref<!tpu.dma_semaphore, #tpu.memory_space<semaphore_mem>>)
    %mul3A_41 = arith.constant 16384 : i32
    %mul3A_42 = arith.muli %arg1, %mul3A_41 : i32
    %add3A_43 = arith.constant 8192 : i32
    %add3A_44 = arith.addi %mul3A_42, %add3A_43 : i32
    %dma_start3A_45 = tpu.memref_slice %arg9[%add3A_44] : memref<262144xf32, #tpu.memory_space<vmem_shared>> -> memref<2048xf32, #tpu.memory_space<vmem_shared>>
    %dma_start3A_46 = tpu.memref_slice %arg9[%add3A_44] : memref<262144xf32, #tpu.memory_space<vmem_shared>> -> memref<2048xf32, #tpu.memory_space<vmem_shared>>
    tpu.enqueue_dma source(%arg8 : memref<2048xf32, #tpu.memory_space<vmem>>) target(%dma_start3A_46 : memref<2048xf32, #tpu.memory_space<vmem_shared>>) target_semaphore(%arg10 : memref<!tpu.dma_semaphore, #tpu.memory_space<semaphore_mem>>)
    %mul3A_47 = arith.constant 16384 : i32
    %mul3A_48 = arith.muli %arg1, %mul3A_47 : i32
    %add3A_49 = arith.constant 10240 : i32
    %add3A_50 = arith.addi %mul3A_48, %add3A_49 : i32
    %dma_start3A_51 = tpu.memref_slice %arg9[%add3A_50] : memref<262144xf32, #tpu.memory_space<vmem_shared>> -> memref<2048xf32, #tpu.memory_space<vmem_shared>>
    %dma_start3A_52 = tpu.memref_slice %arg9[%add3A_50] : memref<262144xf32, #tpu.memory_space<vmem_shared>> -> memref<2048xf32, #tpu.memory_space<vmem_shared>>
    tpu.enqueue_dma source(%arg8 : memref<2048xf32, #tpu.memory_space<vmem>>) target(%dma_start3A_52 : memref<2048xf32, #tpu.memory_space<vmem_shared>>) target_semaphore(%arg10 : memref<!tpu.dma_semaphore, #tpu.memory_space<semaphore_mem>>)
    %mul3A_53 = arith.constant 16384 : i32
    %mul3A_54 = arith.muli %arg1, %mul3A_53 : i32
    %add3A_55 = arith.constant 12288 : i32
    %add3A_56 = arith.addi %mul3A_54, %add3A_55 : i32
    %dma_start3A_57 = tpu.memref_slice %arg9[%add3A_56] : memref<262144xf32, #tpu.memory_space<vmem_shared>> -> memref<2048xf32, #tpu.memory_space<vmem_shared>>
    %dma_start3A_58 = tpu.memref_slice %arg9[%add3A_56] : memref<262144xf32, #tpu.memory_space<vmem_shared>> -> memref<2048xf32, #tpu.memory_space<vmem_shared>>
    tpu.enqueue_dma source(%arg8 : memref<2048xf32, #tpu.memory_space<vmem>>) target(%dma_start3A_58 : memref<2048xf32, #tpu.memory_space<vmem_shared>>) target_semaphore(%arg10 : memref<!tpu.dma_semaphore, #tpu.memory_space<semaphore_mem>>)
    %mul3A_59 = arith.constant 16384 : i32
    %mul3A_60 = arith.muli %arg1, %mul3A_59 : i32
    %add3A_61 = arith.constant 14336 : i32
    %add3A_62 = arith.addi %mul3A_60, %add3A_61 : i32
    %dma_start3A_63 = tpu.memref_slice %arg9[%add3A_62] : memref<262144xf32, #tpu.memory_space<vmem_shared>> -> memref<2048xf32, #tpu.memory_space<vmem_shared>>
    %dma_start3A_64 = tpu.memref_slice %arg9[%add3A_62] : memref<262144xf32, #tpu.memory_space<vmem_shared>> -> memref<2048xf32, #tpu.memory_space<vmem_shared>>
    tpu.enqueue_dma source(%arg8 : memref<2048xf32, #tpu.memory_space<vmem>>) target(%dma_start3A_64 : memref<2048xf32, #tpu.memory_space<vmem_shared>>) target_semaphore(%arg10 : memref<!tpu.dma_semaphore, #tpu.memory_space<semaphore_mem>>)
    %scan3A_65 = arith.constant 0 : i32
    %scan3A_66 = arith.constant 0 : i32
    %scan3A_67 = arith.constant 8 : i32
    %scan3A_68 = arith.addi %scan3A_66, %scan3A_67 : i32
    %scan3A_69 = arith.constant 1 : i32
    scf.for %scan3A_315 = %scan3A_66 to %scan3A_68 step %scan3A_69  : i32 {
      %broadcast_in_dim3A = arith.constant 1.000000e+00 : f32
      %broadcast_in_dim3A_316 = vector.broadcast %broadcast_in_dim3A : f32 to vector<16xf32>
      %mul3A_317 = arith.constant 16 : i32
      %mul3A_318 = arith.muli %scan3A_315, %mul3A_317 : i32
      %swap3A = arith.constant 0 : i32
      %swap3A_319 = arith.index_cast %swap3A : i32 to index
      %swap3A_320 = arith.index_cast %mul3A_318 : i32 to index
      %swap3A_321 = tpu.vector_load %arg6[%swap3A_319, %swap3A_320] {strides = array<i32>} : memref<1x128xf32, #tpu.memory_space<vmem>>, vector<16xf32>,
      tpu.vector_store %arg6[%swap3A_319, %swap3A_320], %broadcast_in_dim3A_316 {strides = array<i32>} : memref<1x128xf32, #tpu.memory_space<vmem>>, vector<16xf32>,
    }
    %scan3A_70 = arith.constant 8 : i32
    %dma_wait3A = arith.constant 0 : i32
    %dma_wait3A_71 = tpu.memref_slice %arg2[%dma_wait3A, %mul3A_2] : memref<2x32768xi32, #tpu.memory_space<hbm>> -> memref<1x1024xi32, #tpu.memory_space<hbm>>
    %dma_wait3A_72 = tpu.memref_squeeze %dma_wait3A_71 : memref<1x1024xi32, #tpu.memory_space<hbm>> -> memref<1024xi32, #tpu.memory_space<hbm>>
    %dma_wait3A_73 = tpu.memref_slice %arg2[%dma_wait3A, %mul3A_2] : memref<2x32768xi32, #tpu.memory_space<hbm>> -> memref<1x1024xi32, #tpu.memory_space<hbm>>
    %dma_wait3A_74 = tpu.memref_squeeze %dma_wait3A_73 : memref<1x1024xi32, #tpu.memory_space<hbm>> -> memref<1024xi32, #tpu.memory_space<hbm>>
    tpu.wait_dma2 semaphore(%arg11 : memref<!tpu.dma_semaphore, #tpu.memory_space<semaphore_mem>>) src(%dma_wait3A_74 : memref<1024xi32, #tpu.memory_space<hbm>>) dst(%arg4 : memref<1024xi32, #tpu.memory_space<vmem>>)
    %dma_wait3A_75 = arith.constant 1 : i32
    %dma_wait3A_76 = tpu.memref_slice %arg2[%dma_wait3A_75, %mul3A_2] : memref<2x32768xi32, #tpu.memory_space<hbm>> -> memref<1x1024xi32, #tpu.memory_space<hbm>>
    %dma_wait3A_77 = tpu.memref_squeeze %dma_wait3A_76 : memref<1x1024xi32, #tpu.memory_space<hbm>> -> memref<1024xi32, #tpu.memory_space<hbm>>
    %dma_wait3A_78 = tpu.memref_slice %arg2[%dma_wait3A_75, %mul3A_2] : memref<2x32768xi32, #tpu.memory_space<hbm>> -> memref<1x1024xi32, #tpu.memory_space<hbm>>
    %dma_wait3A_79 = tpu.memref_squeeze %dma_wait3A_78 : memref<1x1024xi32, #tpu.memory_space<hbm>> -> memref<1024xi32, #tpu.memory_space<hbm>>
    tpu.wait_dma2 semaphore(%arg11 : memref<!tpu.dma_semaphore, #tpu.memory_space<semaphore_mem>>) src(%dma_wait3A_79 : memref<1024xi32, #tpu.memory_space<hbm>>) dst(%arg5 : memref<1024xi32, #tpu.memory_space<vmem>>)
    %scan3A_80 = arith.constant 0 : i32
    %scan3A_81 = arith.constant 0 : i32
    %scan3A_82 = arith.constant 8 : i32
    %scan3A_83 = arith.addi %scan3A_81, %scan3A_82 : i32
    %scan3A_84 = arith.constant 1 : i32
    scf.for %scan3A_315 = %scan3A_81 to %scan3A_83 step %scan3A_84  : i32 {
      %mul3A_316 = arith.constant 16 : i32
      %mul3A_317 = arith.muli %scan3A_315, %mul3A_316 : i32
      %add3A_318 = arith.constant 0 : i32
      %add3A_319 = arith.addi %add3A_318, %mul3A_317 : i32
      %get3A = arith.index_cast %add3A_319 : i32 to index
      %get3A_320 = tpu.vector_load %arg4[%get3A] {strides = array<i32>} : memref<1024xi32, #tpu.memory_space<vmem>>, vector<16xi32>,
      %get3A_321 = arith.index_cast %add3A_319 : i32 to index
      %get3A_322 = tpu.vector_load %arg5[%get3A_321] {strides = array<i32>} : memref<1024xi32, #tpu.memory_space<vmem>>, vector<16xi32>,
      %shift_left3A = arith.constant 9 : i32
      %shift_left3A_323 = vector.broadcast %shift_left3A : i32 to vector<16xi32>
      %shift_left3A_324 = arith.shli %get3A_322, %shift_left3A_323 : vector<16xi32>
      %or3A = arith.ori %shift_left3A_324, %get3A_320 : vector<16xi32>
      %mul3A_325 = arith.constant 16 : i32
      %mul3A_326 = arith.muli %scan3A_315, %mul3A_325 : i32
      %swap3A = arith.constant 0 : i32
      %swap3A_327 = arith.index_cast %swap3A : i32 to index
      %swap3A_328 = arith.index_cast %mul3A_326 : i32 to index
      %swap3A_329 = tpu.vector_load %arg7[%swap3A_327, %swap3A_328] {strides = array<i32>} : memref<8x128xi32, #tpu.memory_space<vmem>>, vector<16xi32>,
      tpu.vector_store %arg7[%swap3A_327, %swap3A_328], %or3A {strides = array<i32>} : memref<8x128xi32, #tpu.memory_space<vmem>>, vector<16xi32>,
    }
    %scan3A_85 = arith.constant 8 : i32
    %scan3A_86 = arith.constant 0 : i32
    %scan3A_87 = arith.constant 0 : i32
    %scan3A_88 = arith.constant 8 : i32
    %scan3A_89 = arith.addi %scan3A_87, %scan3A_88 : i32
    %scan3A_90 = arith.constant 1 : i32
    scf.for %scan3A_315 = %scan3A_87 to %scan3A_89 step %scan3A_90  : i32 {
      %mul3A_316 = arith.constant 16 : i32
      %mul3A_317 = arith.muli %scan3A_315, %mul3A_316 : i32
      %add3A_318 = arith.constant 128 : i32
      %add3A_319 = arith.addi %add3A_318, %mul3A_317 : i32
      %get3A = arith.index_cast %add3A_319 : i32 to index
      %get3A_320 = tpu.vector_load %arg4[%get3A] {strides = array<i32>} : memref<1024xi32, #tpu.memory_space<vmem>>, vector<16xi32>,
      %get3A_321 = arith.index_cast %add3A_319 : i32 to index
      %get3A_322 = tpu.vector_load %arg5[%get3A_321] {strides = array<i32>} : memref<1024xi32, #tpu.memory_space<vmem>>, vector<16xi32>,
      %shift_left3A = arith.constant 9 : i32
      %shift_left3A_323 = vector.broadcast %shift_left3A : i32 to vector<16xi32>
      %shift_left3A_324 = arith.shli %get3A_322, %shift_left3A_323 : vector<16xi32>
      %or3A = arith.ori %shift_left3A_324, %get3A_320 : vector<16xi32>
      %mul3A_325 = arith.constant 16 : i32
      %mul3A_326 = arith.muli %scan3A_315, %mul3A_325 : i32
      %swap3A = arith.constant 1 : i32
      %swap3A_327 = arith.index_cast %swap3A : i32 to index
      %swap3A_328 = arith.index_cast %mul3A_326 : i32 to index
      %swap3A_329 = tpu.vector_load %arg7[%swap3A_327, %swap3A_328] {strides = array<i32>} : memref<8x128xi32, #tpu.memory_space<vmem>>, vector<16xi32>,
      tpu.vector_store %arg7[%swap3A_327, %swap3A_328], %or3A {strides = array<i32>} : memref<8x128xi32, #tpu.memory_space<vmem>>, vector<16xi32>,
    }
    %scan3A_91 = arith.constant 8 : i32
    %scan3A_92 = arith.constant 0 : i32
    %scan3A_93 = arith.constant 0 : i32
    %scan3A_94 = arith.constant 8 : i32
    %scan3A_95 = arith.addi %scan3A_93, %scan3A_94 : i32
    %scan3A_96 = arith.constant 1 : i32
    scf.for %scan3A_315 = %scan3A_93 to %scan3A_95 step %scan3A_96  : i32 {
      %mul3A_316 = arith.constant 16 : i32
      %mul3A_317 = arith.muli %scan3A_315, %mul3A_316 : i32
      %add3A_318 = arith.constant 256 : i32
      %add3A_319 = arith.addi %add3A_318, %mul3A_317 : i32
      %get3A = arith.index_cast %add3A_319 : i32 to index
      %get3A_320 = tpu.vector_load %arg4[%get3A] {strides = array<i32>} : memref<1024xi32, #tpu.memory_space<vmem>>, vector<16xi32>,
      %get3A_321 = arith.index_cast %add3A_319 : i32 to index
      %get3A_322 = tpu.vector_load %arg5[%get3A_321] {strides = array<i32>} : memref<1024xi32, #tpu.memory_space<vmem>>, vector<16xi32>,
      %shift_left3A = arith.constant 9 : i32
      %shift_left3A_323 = vector.broadcast %shift_left3A : i32 to vector<16xi32>
      %shift_left3A_324 = arith.shli %get3A_322, %shift_left3A_323 : vector<16xi32>
      %or3A = arith.ori %shift_left3A_324, %get3A_320 : vector<16xi32>
      %mul3A_325 = arith.constant 16 : i32
      %mul3A_326 = arith.muli %scan3A_315, %mul3A_325 : i32
      %swap3A = arith.constant 2 : i32
      %swap3A_327 = arith.index_cast %swap3A : i32 to index
      %swap3A_328 = arith.index_cast %mul3A_326 : i32 to index
      %swap3A_329 = tpu.vector_load %arg7[%swap3A_327, %swap3A_328] {strides = array<i32>} : memref<8x128xi32, #tpu.memory_space<vmem>>, vector<16xi32>,
      tpu.vector_store %arg7[%swap3A_327, %swap3A_328], %or3A {strides = array<i32>} : memref<8x128xi32, #tpu.memory_space<vmem>>, vector<16xi32>,
    }
    %scan3A_97 = arith.constant 8 : i32
    %scan3A_98 = arith.constant 0 : i32
    %scan3A_99 = arith.constant 0 : i32
    %scan3A_100 = arith.constant 8 : i32
    %scan3A_101 = arith.addi %scan3A_99, %scan3A_100 : i32
    %scan3A_102 = arith.constant 1 : i32
    scf.for %scan3A_315 = %scan3A_99 to %scan3A_101 step %scan3A_102  : i32 {
      %mul3A_316 = arith.constant 16 : i32
      %mul3A_317 = arith.muli %scan3A_315, %mul3A_316 : i32
      %add3A_318 = arith.constant 384 : i32
      %add3A_319 = arith.addi %add3A_318, %mul3A_317 : i32
      %get3A = arith.index_cast %add3A_319 : i32 to index
      %get3A_320 = tpu.vector_load %arg4[%get3A] {strides = array<i32>} : memref<1024xi32, #tpu.memory_space<vmem>>, vector<16xi32>,
      %get3A_321 = arith.index_cast %add3A_319 : i32 to index
      %get3A_322 = tpu.vector_load %arg5[%get3A_321] {strides = array<i32>} : memref<1024xi32, #tpu.memory_space<vmem>>, vector<16xi32>,
      %shift_left3A = arith.constant 9 : i32
      %shift_left3A_323 = vector.broadcast %shift_left3A : i32 to vector<16xi32>
      %shift_left3A_324 = arith.shli %get3A_322, %shift_left3A_323 : vector<16xi32>
      %or3A = arith.ori %shift_left3A_324, %get3A_320 : vector<16xi32>
      %mul3A_325 = arith.constant 16 : i32
      %mul3A_326 = arith.muli %scan3A_315, %mul3A_325 : i32
      %swap3A = arith.constant 3 : i32
      %swap3A_327 = arith.index_cast %swap3A : i32 to index
      %swap3A_328 = arith.index_cast %mul3A_326 : i32 to index
      %swap3A_329 = tpu.vector_load %arg7[%swap3A_327, %swap3A_328] {strides = array<i32>} : memref<8x128xi32, #tpu.memory_space<vmem>>, vector<16xi32>,
      tpu.vector_store %arg7[%swap3A_327, %swap3A_328], %or3A {strides = array<i32>} : memref<8x128xi32, #tpu.memory_space<vmem>>, vector<16xi32>,
    }
    %scan3A_103 = arith.constant 8 : i32
    %scan3A_104 = arith.constant 0 : i32
    %scan3A_105 = arith.constant 0 : i32
    %scan3A_106 = arith.constant 8 : i32
    %scan3A_107 = arith.addi %scan3A_105, %scan3A_106 : i32
    %scan3A_108 = arith.constant 1 : i32
    scf.for %scan3A_315 = %scan3A_105 to %scan3A_107 step %scan3A_108  : i32 {
      %mul3A_316 = arith.constant 16 : i32
      %mul3A_317 = arith.muli %scan3A_315, %mul3A_316 : i32
      %add3A_318 = arith.constant 512 : i32
      %add3A_319 = arith.addi %add3A_318, %mul3A_317 : i32
      %get3A = arith.index_cast %add3A_319 : i32 to index
      %get3A_320 = tpu.vector_load %arg4[%get3A] {strides = array<i32>} : memref<1024xi32, #tpu.memory_space<vmem>>, vector<16xi32>,
      %get3A_321 = arith.index_cast %add3A_319 : i32 to index
      %get3A_322 = tpu.vector_load %arg5[%get3A_321] {strides = array<i32>} : memref<1024xi32, #tpu.memory_space<vmem>>, vector<16xi32>,
      %shift_left3A = arith.constant 9 : i32
      %shift_left3A_323 = vector.broadcast %shift_left3A : i32 to vector<16xi32>
      %shift_left3A_324 = arith.shli %get3A_322, %shift_left3A_323 : vector<16xi32>
      %or3A = arith.ori %shift_left3A_324, %get3A_320 : vector<16xi32>
      %mul3A_325 = arith.constant 16 : i32
      %mul3A_326 = arith.muli %scan3A_315, %mul3A_325 : i32
      %swap3A = arith.constant 4 : i32
      %swap3A_327 = arith.index_cast %swap3A : i32 to index
      %swap3A_328 = arith.index_cast %mul3A_326 : i32 to index
      %swap3A_329 = tpu.vector_load %arg7[%swap3A_327, %swap3A_328] {strides = array<i32>} : memref<8x128xi32, #tpu.memory_space<vmem>>, vector<16xi32>,
      tpu.vector_store %arg7[%swap3A_327, %swap3A_328], %or3A {strides = array<i32>} : memref<8x128xi32, #tpu.memory_space<vmem>>, vector<16xi32>,
    }
    %scan3A_109 = arith.constant 8 : i32
    %scan3A_110 = arith.constant 0 : i32
    %scan3A_111 = arith.constant 0 : i32
    %scan3A_112 = arith.constant 8 : i32
    %scan3A_113 = arith.addi %scan3A_111, %scan3A_112 : i32
    %scan3A_114 = arith.constant 1 : i32
    scf.for %scan3A_315 = %scan3A_111 to %scan3A_113 step %scan3A_114  : i32 {
      %mul3A_316 = arith.constant 16 : i32
      %mul3A_317 = arith.muli %scan3A_315, %mul3A_316 : i32
      %add3A_318 = arith.constant 640 : i32
      %add3A_319 = arith.addi %add3A_318, %mul3A_317 : i32
      %get3A = arith.index_cast %add3A_319 : i32 to index
      %get3A_320 = tpu.vector_load %arg4[%get3A] {strides = array<i32>} : memref<1024xi32, #tpu.memory_space<vmem>>, vector<16xi32>,
      %get3A_321 = arith.index_cast %add3A_319 : i32 to index
      %get3A_322 = tpu.vector_load %arg5[%get3A_321] {strides = array<i32>} : memref<1024xi32, #tpu.memory_space<vmem>>, vector<16xi32>,
      %shift_left3A = arith.constant 9 : i32
      %shift_left3A_323 = vector.broadcast %shift_left3A : i32 to vector<16xi32>
      %shift_left3A_324 = arith.shli %get3A_322, %shift_left3A_323 : vector<16xi32>
      %or3A = arith.ori %shift_left3A_324, %get3A_320 : vector<16xi32>
      %mul3A_325 = arith.constant 16 : i32
      %mul3A_326 = arith.muli %scan3A_315, %mul3A_325 : i32
      %swap3A = arith.constant 5 : i32
      %swap3A_327 = arith.index_cast %swap3A : i32 to index
      %swap3A_328 = arith.index_cast %mul3A_326 : i32 to index
      %swap3A_329 = tpu.vector_load %arg7[%swap3A_327, %swap3A_328] {strides = array<i32>} : memref<8x128xi32, #tpu.memory_space<vmem>>, vector<16xi32>,
      tpu.vector_store %arg7[%swap3A_327, %swap3A_328], %or3A {strides = array<i32>} : memref<8x128xi32, #tpu.memory_space<vmem>>, vector<16xi32>,
    }
    %scan3A_115 = arith.constant 8 : i32
    %scan3A_116 = arith.constant 0 : i32
    %scan3A_117 = arith.constant 0 : i32
    %scan3A_118 = arith.constant 8 : i32
    %scan3A_119 = arith.addi %scan3A_117, %scan3A_118 : i32
    %scan3A_120 = arith.constant 1 : i32
    scf.for %scan3A_315 = %scan3A_117 to %scan3A_119 step %scan3A_120  : i32 {
      %mul3A_316 = arith.constant 16 : i32
      %mul3A_317 = arith.muli %scan3A_315, %mul3A_316 : i32
      %add3A_318 = arith.constant 768 : i32
      %add3A_319 = arith.addi %add3A_318, %mul3A_317 : i32
      %get3A = arith.index_cast %add3A_319 : i32 to index
      %get3A_320 = tpu.vector_load %arg4[%get3A] {strides = array<i32>} : memref<1024xi32, #tpu.memory_space<vmem>>, vector<16xi32>,
      %get3A_321 = arith.index_cast %add3A_319 : i32 to index
      %get3A_322 = tpu.vector_load %arg5[%get3A_321] {strides = array<i32>} : memref<1024xi32, #tpu.memory_space<vmem>>, vector<16xi32>,
      %shift_left3A = arith.constant 9 : i32
      %shift_left3A_323 = vector.broadcast %shift_left3A : i32 to vector<16xi32>
      %shift_left3A_324 = arith.shli %get3A_322, %shift_left3A_323 : vector<16xi32>
      %or3A = arith.ori %shift_left3A_324, %get3A_320 : vector<16xi32>
      %mul3A_325 = arith.constant 16 : i32
      %mul3A_326 = arith.muli %scan3A_315, %mul3A_325 : i32
      %swap3A = arith.constant 6 : i32
      %swap3A_327 = arith.index_cast %swap3A : i32 to index
      %swap3A_328 = arith.index_cast %mul3A_326 : i32 to index
      %swap3A_329 = tpu.vector_load %arg7[%swap3A_327, %swap3A_328] {strides = array<i32>} : memref<8x128xi32, #tpu.memory_space<vmem>>, vector<16xi32>,
      tpu.vector_store %arg7[%swap3A_327, %swap3A_328], %or3A {strides = array<i32>} : memref<8x128xi32, #tpu.memory_space<vmem>>, vector<16xi32>,
    }
    %scan3A_121 = arith.constant 8 : i32
    %scan3A_122 = arith.constant 0 : i32
    %scan3A_123 = arith.constant 0 : i32
    %scan3A_124 = arith.constant 8 : i32
    %scan3A_125 = arith.addi %scan3A_123, %scan3A_124 : i32
    %scan3A_126 = arith.constant 1 : i32
    scf.for %scan3A_315 = %scan3A_123 to %scan3A_125 step %scan3A_126  : i32 {
      %mul3A_316 = arith.constant 16 : i32
      %mul3A_317 = arith.muli %scan3A_315, %mul3A_316 : i32
      %add3A_318 = arith.constant 896 : i32
      %add3A_319 = arith.addi %add3A_318, %mul3A_317 : i32
      %get3A = arith.index_cast %add3A_319 : i32 to index
      %get3A_320 = tpu.vector_load %arg4[%get3A] {strides = array<i32>} : memref<1024xi32, #tpu.memory_space<vmem>>, vector<16xi32>,
      %get3A_321 = arith.index_cast %add3A_319 : i32 to index
      %get3A_322 = tpu.vector_load %arg5[%get3A_321] {strides = array<i32>} : memref<1024xi32, #tpu.memory_space<vmem>>, vector<16xi32>,
      %shift_left3A = arith.constant 9 : i32
      %shift_left3A_323 = vector.broadcast %shift_left3A : i32 to vector<16xi32>
      %shift_left3A_324 = arith.shli %get3A_322, %shift_left3A_323 : vector<16xi32>
      %or3A = arith.ori %shift_left3A_324, %get3A_320 : vector<16xi32>
      %mul3A_325 = arith.constant 16 : i32
      %mul3A_326 = arith.muli %scan3A_315, %mul3A_325 : i32
      %swap3A = arith.constant 7 : i32
      %swap3A_327 = arith.index_cast %swap3A : i32 to index
      %swap3A_328 = arith.index_cast %mul3A_326 : i32 to index
      %swap3A_329 = tpu.vector_load %arg7[%swap3A_327, %swap3A_328] {strides = array<i32>} : memref<8x128xi32, #tpu.memory_space<vmem>>, vector<16xi32>,
      tpu.vector_store %arg7[%swap3A_327, %swap3A_328], %or3A {strides = array<i32>} : memref<8x128xi32, #tpu.memory_space<vmem>>, vector<16xi32>,
    }
    %scan3A_127 = arith.constant 8 : i32
    %dma_wait3A_128 = tpu.memref_slice %arg9[%add3A_20] : memref<262144xf32, #tpu.memory_space<vmem_shared>> -> memref<2048xf32, #tpu.memory_space<vmem_shared>>
    %dma_wait3A_129 = tpu.memref_slice %arg9[%add3A_20] : memref<262144xf32, #tpu.memory_space<vmem_shared>> -> memref<2048xf32, #tpu.memory_space<vmem_shared>>
    tpu.wait_dma2 semaphore(%arg10 : memref<!tpu.dma_semaphore, #tpu.memory_space<semaphore_mem>>) src(%arg8 : memref<2048xf32, #tpu.memory_space<vmem>>) dst(%dma_wait3A_129 : memref<2048xf32, #tpu.memory_space<vmem_shared>>)
    %dma_wait3A_130 = tpu.memref_slice %arg9[%add3A_26] : memref<262144xf32, #tpu.memory_space<vmem_shared>> -> memref<2048xf32, #tpu.memory_space<vmem_shared>>
    %dma_wait3A_131 = tpu.memref_slice %arg9[%add3A_26] : memref<262144xf32, #tpu.memory_space<vmem_shared>> -> memref<2048xf32, #tpu.memory_space<vmem_shared>>
    tpu.wait_dma2 semaphore(%arg10 : memref<!tpu.dma_semaphore, #tpu.memory_space<semaphore_mem>>) src(%arg8 : memref<2048xf32, #tpu.memory_space<vmem>>) dst(%dma_wait3A_131 : memref<2048xf32, #tpu.memory_space<vmem_shared>>)
    %dma_wait3A_132 = tpu.memref_slice %arg9[%add3A_32] : memref<262144xf32, #tpu.memory_space<vmem_shared>> -> memref<2048xf32, #tpu.memory_space<vmem_shared>>
    %dma_wait3A_133 = tpu.memref_slice %arg9[%add3A_32] : memref<262144xf32, #tpu.memory_space<vmem_shared>> -> memref<2048xf32, #tpu.memory_space<vmem_shared>>
    tpu.wait_dma2 semaphore(%arg10 : memref<!tpu.dma_semaphore, #tpu.memory_space<semaphore_mem>>) src(%arg8 : memref<2048xf32, #tpu.memory_space<vmem>>) dst(%dma_wait3A_133 : memref<2048xf32, #tpu.memory_space<vmem_shared>>)
    %dma_wait3A_134 = tpu.memref_slice %arg9[%add3A_38] : memref<262144xf32, #tpu.memory_space<vmem_shared>> -> memref<2048xf32, #tpu.memory_space<vmem_shared>>
    %dma_wait3A_135 = tpu.memref_slice %arg9[%add3A_38] : memref<262144xf32, #tpu.memory_space<vmem_shared>> -> memref<2048xf32, #tpu.memory_space<vmem_shared>>
    tpu.wait_dma2 semaphore(%arg10 : memref<!tpu.dma_semaphore, #tpu.memory_space<semaphore_mem>>) src(%arg8 : memref<2048xf32, #tpu.memory_space<vmem>>) dst(%dma_wait3A_135 : memref<2048xf32, #tpu.memory_space<vmem_shared>>)
    %dma_wait3A_136 = tpu.memref_slice %arg9[%add3A_44] : memref<262144xf32, #tpu.memory_space<vmem_shared>> -> memref<2048xf32, #tpu.memory_space<vmem_shared>>
    %dma_wait3A_137 = tpu.memref_slice %arg9[%add3A_44] : memref<262144xf32, #tpu.memory_space<vmem_shared>> -> memref<2048xf32, #tpu.memory_space<vmem_shared>>
    tpu.wait_dma2 semaphore(%arg10 : memref<!tpu.dma_semaphore, #tpu.memory_space<semaphore_mem>>) src(%arg8 : memref<2048xf32, #tpu.memory_space<vmem>>) dst(%dma_wait3A_137 : memref<2048xf32, #tpu.memory_space<vmem_shared>>)
    %dma_wait3A_138 = tpu.memref_slice %arg9[%add3A_50] : memref<262144xf32, #tpu.memory_space<vmem_shared>> -> memref<2048xf32, #tpu.memory_space<vmem_shared>>
    %dma_wait3A_139 = tpu.memref_slice %arg9[%add3A_50] : memref<262144xf32, #tpu.memory_space<vmem_shared>> -> memref<2048xf32, #tpu.memory_space<vmem_shared>>
    tpu.wait_dma2 semaphore(%arg10 : memref<!tpu.dma_semaphore, #tpu.memory_space<semaphore_mem>>) src(%arg8 : memref<2048xf32, #tpu.memory_space<vmem>>) dst(%dma_wait3A_139 : memref<2048xf32, #tpu.memory_space<vmem_shared>>)
    %dma_wait3A_140 = tpu.memref_slice %arg9[%add3A_56] : memref<262144xf32, #tpu.memory_space<vmem_shared>> -> memref<2048xf32, #tpu.memory_space<vmem_shared>>
    %dma_wait3A_141 = tpu.memref_slice %arg9[%add3A_56] : memref<262144xf32, #tpu.memory_space<vmem_shared>> -> memref<2048xf32, #tpu.memory_space<vmem_shared>>
    tpu.wait_dma2 semaphore(%arg10 : memref<!tpu.dma_semaphore, #tpu.memory_space<semaphore_mem>>) src(%arg8 : memref<2048xf32, #tpu.memory_space<vmem>>) dst(%dma_wait3A_141 : memref<2048xf32, #tpu.memory_space<vmem_shared>>)
    %dma_wait3A_142 = tpu.memref_slice %arg9[%add3A_62] : memref<262144xf32, #tpu.memory_space<vmem_shared>> -> memref<2048xf32, #tpu.memory_space<vmem_shared>>
    %dma_wait3A_143 = tpu.memref_slice %arg9[%add3A_62] : memref<262144xf32, #tpu.memory_space<vmem_shared>> -> memref<2048xf32, #tpu.memory_space<vmem_shared>>
    tpu.wait_dma2 semaphore(%arg10 : memref<!tpu.dma_semaphore, #tpu.memory_space<semaphore_mem>>) src(%arg8 : memref<2048xf32, #tpu.memory_space<vmem>>) dst(%dma_wait3A_143 : memref<2048xf32, #tpu.memory_space<vmem_shared>>)
    %barrier3A = arith.constant 0 : index
    tpu.barrier barrier_id(%barrier3A)
    %dma_start3A_144 = arith.constant 0 : i32
    %dma_start3A_145 = arith.constant 0 : i32
    %dma_start3A_146 = arith.constant 0 : i32
    %dma_start3A_147 = tpu.memref_slice %arg6[%dma_start3A_144, %dma_start3A_146] : memref<1x128xf32, #tpu.memory_space<vmem>> -> memref<1x128xf32, #tpu.memory_space<vmem>>
    %dma_start3A_148 = tpu.memref_squeeze %dma_start3A_147 : memref<1x128xf32, #tpu.memory_space<vmem>> -> memref<128xf32, #tpu.memory_space<vmem>>
    %dma_start3A_149 = arith.constant 0 : i32
    %dma_start3A_150 = tpu.memref_slice %arg7[%dma_start3A_145, %dma_start3A_149] : memref<8x128xi32, #tpu.memory_space<vmem>> -> memref<1x128xi32, #tpu.memory_space<vmem>>
    %dma_start3A_151 = tpu.memref_squeeze %dma_start3A_150 : memref<1x128xi32, #tpu.memory_space<vmem>> -> memref<128xi32, #tpu.memory_space<vmem>>
    %dma_start3A_152 = arith.constant 0 : i32
    %dma_start3A_153 = tpu.memref_slice %arg9[%dma_start3A_152] : memref<262144xf32, #tpu.memory_space<vmem_shared>> -> memref<262144xf32, #tpu.memory_space<vmem_shared>>
    tpu.enqueue_indirect_dma source(%dma_start3A_148 : memref<128xf32, #tpu.memory_space<vmem>>) target(%dma_start3A_153 : memref<262144xf32, #tpu.memory_space<vmem_shared>>) offsets(%dma_start3A_151 : memref<128xi32, #tpu.memory_space<vmem>>) semaphore(%arg12 : memref<!tpu.dma_semaphore, #tpu.memory_space<semaphore_mem>>) {add = true}
    %dma_start3A_154 = arith.constant 0 : i32
    %dma_start3A_155 = arith.constant 1 : i32
    %dma_start3A_156 = arith.constant 0 : i32
    %dma_start3A_157 = tpu.memref_slice %arg6[%dma_start3A_154, %dma_start3A_156] : memref<1x128xf32, #tpu.memory_space<vmem>> -> memref<1x128xf32, #tpu.memory_space<vmem>>
    %dma_start3A_158 = tpu.memref_squeeze %dma_start3A_157 : memref<1x128xf32, #tpu.memory_space<vmem>> -> memref<128xf32, #tpu.memory_space<vmem>>
    %dma_start3A_159 = arith.constant 0 : i32
    %dma_start3A_160 = tpu.memref_slice %arg7[%dma_start3A_155, %dma_start3A_159] : memref<8x128xi32, #tpu.memory_space<vmem>> -> memref<1x128xi32, #tpu.memory_space<vmem>>
    %dma_start3A_161 = tpu.memref_squeeze %dma_start3A_160 : memref<1x128xi32, #tpu.memory_space<vmem>> -> memref<128xi32, #tpu.memory_space<vmem>>
    %dma_start3A_162 = arith.constant 0 : i32
    %dma_start3A_163 = tpu.memref_slice %arg9[%dma_start3A_162] : memref<262144xf32, #tpu.memory_space<vmem_shared>> -> memref<262144xf32, #tpu.memory_space<vmem_shared>>
    tpu.enqueue_indirect_dma source(%dma_start3A_158 : memref<128xf32, #tpu.memory_space<vmem>>) target(%dma_start3A_163 : memref<262144xf32, #tpu.memory_space<vmem_shared>>) offsets(%dma_start3A_161 : memref<128xi32, #tpu.memory_space<vmem>>) semaphore(%arg12 : memref<!tpu.dma_semaphore, #tpu.memory_space<semaphore_mem>>) {add = true}
    %dma_start3A_164 = arith.constant 0 : i32
    %dma_start3A_165 = arith.constant 2 : i32
    %dma_start3A_166 = arith.constant 0 : i32
    %dma_start3A_167 = tpu.memref_slice %arg6[%dma_start3A_164, %dma_start3A_166] : memref<1x128xf32, #tpu.memory_space<vmem>> -> memref<1x128xf32, #tpu.memory_space<vmem>>
    %dma_start3A_168 = tpu.memref_squeeze %dma_start3A_167 : memref<1x128xf32, #tpu.memory_space<vmem>> -> memref<128xf32, #tpu.memory_space<vmem>>
    %dma_start3A_169 = arith.constant 0 : i32
    %dma_start3A_170 = tpu.memref_slice %arg7[%dma_start3A_165, %dma_start3A_169] : memref<8x128xi32, #tpu.memory_space<vmem>> -> memref<1x128xi32, #tpu.memory_space<vmem>>
    %dma_start3A_171 = tpu.memref_squeeze %dma_start3A_170 : memref<1x128xi32, #tpu.memory_space<vmem>> -> memref<128xi32, #tpu.memory_space<vmem>>
    %dma_start3A_172 = arith.constant 0 : i32
    %dma_start3A_173 = tpu.memref_slice %arg9[%dma_start3A_172] : memref<262144xf32, #tpu.memory_space<vmem_shared>> -> memref<262144xf32, #tpu.memory_space<vmem_shared>>
    tpu.enqueue_indirect_dma source(%dma_start3A_168 : memref<128xf32, #tpu.memory_space<vmem>>) target(%dma_start3A_173 : memref<262144xf32, #tpu.memory_space<vmem_shared>>) offsets(%dma_start3A_171 : memref<128xi32, #tpu.memory_space<vmem>>) semaphore(%arg12 : memref<!tpu.dma_semaphore, #tpu.memory_space<semaphore_mem>>) {add = true}
    %dma_start3A_174 = arith.constant 0 : i32
    %dma_start3A_175 = arith.constant 3 : i32
    %dma_start3A_176 = arith.constant 0 : i32
    %dma_start3A_177 = tpu.memref_slice %arg6[%dma_start3A_174, %dma_start3A_176] : memref<1x128xf32, #tpu.memory_space<vmem>> -> memref<1x128xf32, #tpu.memory_space<vmem>>
    %dma_start3A_178 = tpu.memref_squeeze %dma_start3A_177 : memref<1x128xf32, #tpu.memory_space<vmem>> -> memref<128xf32, #tpu.memory_space<vmem>>
    %dma_start3A_179 = arith.constant 0 : i32
    %dma_start3A_180 = tpu.memref_slice %arg7[%dma_start3A_175, %dma_start3A_179] : memref<8x128xi32, #tpu.memory_space<vmem>> -> memref<1x128xi32, #tpu.memory_space<vmem>>
    %dma_start3A_181 = tpu.memref_squeeze %dma_start3A_180 : memref<1x128xi32, #tpu.memory_space<vmem>> -> memref<128xi32, #tpu.memory_space<vmem>>
    %dma_start3A_182 = arith.constant 0 : i32
    %dma_start3A_183 = tpu.memref_slice %arg9[%dma_start3A_182] : memref<262144xf32, #tpu.memory_space<vmem_shared>> -> memref<262144xf32, #tpu.memory_space<vmem_shared>>
    tpu.enqueue_indirect_dma source(%dma_start3A_178 : memref<128xf32, #tpu.memory_space<vmem>>) target(%dma_start3A_183 : memref<262144xf32, #tpu.memory_space<vmem_shared>>) offsets(%dma_start3A_181 : memref<128xi32, #tpu.memory_space<vmem>>) semaphore(%arg12 : memref<!tpu.dma_semaphore, #tpu.memory_space<semaphore_mem>>) {add = true}
    %dma_start3A_184 = arith.constant 0 : i32
    %dma_start3A_185 = arith.constant 4 : i32
    %dma_start3A_186 = arith.constant 0 : i32
    %dma_start3A_187 = tpu.memref_slice %arg6[%dma_start3A_184, %dma_start3A_186] : memref<1x128xf32, #tpu.memory_space<vmem>> -> memref<1x128xf32, #tpu.memory_space<vmem>>
    %dma_start3A_188 = tpu.memref_squeeze %dma_start3A_187 : memref<1x128xf32, #tpu.memory_space<vmem>> -> memref<128xf32, #tpu.memory_space<vmem>>
    %dma_start3A_189 = arith.constant 0 : i32
    %dma_start3A_190 = tpu.memref_slice %arg7[%dma_start3A_185, %dma_start3A_189] : memref<8x128xi32, #tpu.memory_space<vmem>> -> memref<1x128xi32, #tpu.memory_space<vmem>>
    %dma_start3A_191 = tpu.memref_squeeze %dma_start3A_190 : memref<1x128xi32, #tpu.memory_space<vmem>> -> memref<128xi32, #tpu.memory_space<vmem>>
    %dma_start3A_192 = arith.constant 0 : i32
    %dma_start3A_193 = tpu.memref_slice %arg9[%dma_start3A_192] : memref<262144xf32, #tpu.memory_space<vmem_shared>> -> memref<262144xf32, #tpu.memory_space<vmem_shared>>
    tpu.enqueue_indirect_dma source(%dma_start3A_188 : memref<128xf32, #tpu.memory_space<vmem>>) target(%dma_start3A_193 : memref<262144xf32, #tpu.memory_space<vmem_shared>>) offsets(%dma_start3A_191 : memref<128xi32, #tpu.memory_space<vmem>>) semaphore(%arg12 : memref<!tpu.dma_semaphore, #tpu.memory_space<semaphore_mem>>) {add = true}
    %dma_start3A_194 = arith.constant 0 : i32
    %dma_start3A_195 = arith.constant 5 : i32
    %dma_start3A_196 = arith.constant 0 : i32
    %dma_start3A_197 = tpu.memref_slice %arg6[%dma_start3A_194, %dma_start3A_196] : memref<1x128xf32, #tpu.memory_space<vmem>> -> memref<1x128xf32, #tpu.memory_space<vmem>>
    %dma_start3A_198 = tpu.memref_squeeze %dma_start3A_197 : memref<1x128xf32, #tpu.memory_space<vmem>> -> memref<128xf32, #tpu.memory_space<vmem>>
    %dma_start3A_199 = arith.constant 0 : i32
    %dma_start3A_200 = tpu.memref_slice %arg7[%dma_start3A_195, %dma_start3A_199] : memref<8x128xi32, #tpu.memory_space<vmem>> -> memref<1x128xi32, #tpu.memory_space<vmem>>
    %dma_start3A_201 = tpu.memref_squeeze %dma_start3A_200 : memref<1x128xi32, #tpu.memory_space<vmem>> -> memref<128xi32, #tpu.memory_space<vmem>>
    %dma_start3A_202 = arith.constant 0 : i32
    %dma_start3A_203 = tpu.memref_slice %arg9[%dma_start3A_202] : memref<262144xf32, #tpu.memory_space<vmem_shared>> -> memref<262144xf32, #tpu.memory_space<vmem_shared>>
    tpu.enqueue_indirect_dma source(%dma_start3A_198 : memref<128xf32, #tpu.memory_space<vmem>>) target(%dma_start3A_203 : memref<262144xf32, #tpu.memory_space<vmem_shared>>) offsets(%dma_start3A_201 : memref<128xi32, #tpu.memory_space<vmem>>) semaphore(%arg12 : memref<!tpu.dma_semaphore, #tpu.memory_space<semaphore_mem>>) {add = true}
    %dma_start3A_204 = arith.constant 0 : i32
    %dma_start3A_205 = arith.constant 6 : i32
    %dma_start3A_206 = arith.constant 0 : i32
    %dma_start3A_207 = tpu.memref_slice %arg6[%dma_start3A_204, %dma_start3A_206] : memref<1x128xf32, #tpu.memory_space<vmem>> -> memref<1x128xf32, #tpu.memory_space<vmem>>
    %dma_start3A_208 = tpu.memref_squeeze %dma_start3A_207 : memref<1x128xf32, #tpu.memory_space<vmem>> -> memref<128xf32, #tpu.memory_space<vmem>>
    %dma_start3A_209 = arith.constant 0 : i32
    %dma_start3A_210 = tpu.memref_slice %arg7[%dma_start3A_205, %dma_start3A_209] : memref<8x128xi32, #tpu.memory_space<vmem>> -> memref<1x128xi32, #tpu.memory_space<vmem>>
    %dma_start3A_211 = tpu.memref_squeeze %dma_start3A_210 : memref<1x128xi32, #tpu.memory_space<vmem>> -> memref<128xi32, #tpu.memory_space<vmem>>
    %dma_start3A_212 = arith.constant 0 : i32
    %dma_start3A_213 = tpu.memref_slice %arg9[%dma_start3A_212] : memref<262144xf32, #tpu.memory_space<vmem_shared>> -> memref<262144xf32, #tpu.memory_space<vmem_shared>>
    tpu.enqueue_indirect_dma source(%dma_start3A_208 : memref<128xf32, #tpu.memory_space<vmem>>) target(%dma_start3A_213 : memref<262144xf32, #tpu.memory_space<vmem_shared>>) offsets(%dma_start3A_211 : memref<128xi32, #tpu.memory_space<vmem>>) semaphore(%arg12 : memref<!tpu.dma_semaphore, #tpu.memory_space<semaphore_mem>>) {add = true}
    %dma_start3A_214 = arith.constant 0 : i32
    %dma_start3A_215 = arith.constant 7 : i32
    %dma_start3A_216 = arith.constant 0 : i32
    %dma_start3A_217 = tpu.memref_slice %arg6[%dma_start3A_214, %dma_start3A_216] : memref<1x128xf32, #tpu.memory_space<vmem>> -> memref<1x128xf32, #tpu.memory_space<vmem>>
    %dma_start3A_218 = tpu.memref_squeeze %dma_start3A_217 : memref<1x128xf32, #tpu.memory_space<vmem>> -> memref<128xf32, #tpu.memory_space<vmem>>
    %dma_start3A_219 = arith.constant 0 : i32
    %dma_start3A_220 = tpu.memref_slice %arg7[%dma_start3A_215, %dma_start3A_219] : memref<8x128xi32, #tpu.memory_space<vmem>> -> memref<1x128xi32, #tpu.memory_space<vmem>>
    %dma_start3A_221 = tpu.memref_squeeze %dma_start3A_220 : memref<1x128xi32, #tpu.memory_space<vmem>> -> memref<128xi32, #tpu.memory_space<vmem>>
    %dma_start3A_222 = arith.constant 0 : i32
    %dma_start3A_223 = tpu.memref_slice %arg9[%dma_start3A_222] : memref<262144xf32, #tpu.memory_space<vmem_shared>> -> memref<262144xf32, #tpu.memory_space<vmem_shared>>
    tpu.enqueue_indirect_dma source(%dma_start3A_218 : memref<128xf32, #tpu.memory_space<vmem>>) target(%dma_start3A_223 : memref<262144xf32, #tpu.memory_space<vmem_shared>>) offsets(%dma_start3A_221 : memref<128xi32, #tpu.memory_space<vmem>>) semaphore(%arg12 : memref<!tpu.dma_semaphore, #tpu.memory_space<semaphore_mem>>) {add = true}
    %dma_wait3A_224 = arith.constant 0 : i32
    %dma_wait3A_225 = arith.constant 0 : i32
    %dma_wait3A_226 = arith.constant 0 : i32
    %dma_wait3A_227 = tpu.memref_slice %arg6[%dma_wait3A_224, %dma_wait3A_226] : memref<1x128xf32, #tpu.memory_space<vmem>> -> memref<1x128xf32, #tpu.memory_space<vmem>>
    %dma_wait3A_228 = tpu.memref_squeeze %dma_wait3A_227 : memref<1x128xf32, #tpu.memory_space<vmem>> -> memref<128xf32, #tpu.memory_space<vmem>>
    %dma_wait3A_229 = arith.constant 0 : i32
    %dma_wait3A_230 = tpu.memref_slice %arg7[%dma_wait3A_225, %dma_wait3A_229] : memref<8x128xi32, #tpu.memory_space<vmem>> -> memref<1x128xi32, #tpu.memory_space<vmem>>
    %dma_wait3A_231 = tpu.memref_squeeze %dma_wait3A_230 : memref<1x128xi32, #tpu.memory_space<vmem>> -> memref<128xi32, #tpu.memory_space<vmem>>
    %dma_wait3A_232 = arith.constant 0 : i32
    %dma_wait3A_233 = tpu.memref_slice %arg9[%dma_wait3A_232] : memref<262144xf32, #tpu.memory_space<vmem_shared>> -> memref<262144xf32, #tpu.memory_space<vmem_shared>>
    tpu.wait_indirect_dma semaphore(%arg12 : memref<!tpu.dma_semaphore, #tpu.memory_space<semaphore_mem>>) src(%dma_wait3A_228 : memref<128xf32, #tpu.memory_space<vmem>>) dst(%dma_wait3A_233 : memref<262144xf32, #tpu.memory_space<vmem_shared>>)
    %dma_wait3A_234 = arith.constant 0 : i32
    %dma_wait3A_235 = arith.constant 1 : i32
    %dma_wait3A_236 = arith.constant 0 : i32
    %dma_wait3A_237 = tpu.memref_slice %arg6[%dma_wait3A_234, %dma_wait3A_236] : memref<1x128xf32, #tpu.memory_space<vmem>> -> memref<1x128xf32, #tpu.memory_space<vmem>>
    %dma_wait3A_238 = tpu.memref_squeeze %dma_wait3A_237 : memref<1x128xf32, #tpu.memory_space<vmem>> -> memref<128xf32, #tpu.memory_space<vmem>>
    %dma_wait3A_239 = arith.constant 0 : i32
    %dma_wait3A_240 = tpu.memref_slice %arg7[%dma_wait3A_235, %dma_wait3A_239] : memref<8x128xi32, #tpu.memory_space<vmem>> -> memref<1x128xi32, #tpu.memory_space<vmem>>
    %dma_wait3A_241 = tpu.memref_squeeze %dma_wait3A_240 : memref<1x128xi32, #tpu.memory_space<vmem>> -> memref<128xi32, #tpu.memory_space<vmem>>
    %dma_wait3A_242 = arith.constant 0 : i32
    %dma_wait3A_243 = tpu.memref_slice %arg9[%dma_wait3A_242] : memref<262144xf32, #tpu.memory_space<vmem_shared>> -> memref<262144xf32, #tpu.memory_space<vmem_shared>>
    tpu.wait_indirect_dma semaphore(%arg12 : memref<!tpu.dma_semaphore, #tpu.memory_space<semaphore_mem>>) src(%dma_wait3A_238 : memref<128xf32, #tpu.memory_space<vmem>>) dst(%dma_wait3A_243 : memref<262144xf32, #tpu.memory_space<vmem_shared>>)
    %dma_wait3A_244 = arith.constant 0 : i32
    %dma_wait3A_245 = arith.constant 2 : i32
    %dma_wait3A_246 = arith.constant 0 : i32
    %dma_wait3A_247 = tpu.memref_slice %arg6[%dma_wait3A_244, %dma_wait3A_246] : memref<1x128xf32, #tpu.memory_space<vmem>> -> memref<1x128xf32, #tpu.memory_space<vmem>>
    %dma_wait3A_248 = tpu.memref_squeeze %dma_wait3A_247 : memref<1x128xf32, #tpu.memory_space<vmem>> -> memref<128xf32, #tpu.memory_space<vmem>>
    %dma_wait3A_249 = arith.constant 0 : i32
    %dma_wait3A_250 = tpu.memref_slice %arg7[%dma_wait3A_245, %dma_wait3A_249] : memref<8x128xi32, #tpu.memory_space<vmem>> -> memref<1x128xi32, #tpu.memory_space<vmem>>
    %dma_wait3A_251 = tpu.memref_squeeze %dma_wait3A_250 : memref<1x128xi32, #tpu.memory_space<vmem>> -> memref<128xi32, #tpu.memory_space<vmem>>
    %dma_wait3A_252 = arith.constant 0 : i32
    %dma_wait3A_253 = tpu.memref_slice %arg9[%dma_wait3A_252] : memref<262144xf32, #tpu.memory_space<vmem_shared>> -> memref<262144xf32, #tpu.memory_space<vmem_shared>>
    tpu.wait_indirect_dma semaphore(%arg12 : memref<!tpu.dma_semaphore, #tpu.memory_space<semaphore_mem>>) src(%dma_wait3A_248 : memref<128xf32, #tpu.memory_space<vmem>>) dst(%dma_wait3A_253 : memref<262144xf32, #tpu.memory_space<vmem_shared>>)
    %dma_wait3A_254 = arith.constant 0 : i32
    %dma_wait3A_255 = arith.constant 3 : i32
    %dma_wait3A_256 = arith.constant 0 : i32
    %dma_wait3A_257 = tpu.memref_slice %arg6[%dma_wait3A_254, %dma_wait3A_256] : memref<1x128xf32, #tpu.memory_space<vmem>> -> memref<1x128xf32, #tpu.memory_space<vmem>>
    %dma_wait3A_258 = tpu.memref_squeeze %dma_wait3A_257 : memref<1x128xf32, #tpu.memory_space<vmem>> -> memref<128xf32, #tpu.memory_space<vmem>>
    %dma_wait3A_259 = arith.constant 0 : i32
    %dma_wait3A_260 = tpu.memref_slice %arg7[%dma_wait3A_255, %dma_wait3A_259] : memref<8x128xi32, #tpu.memory_space<vmem>> -> memref<1x128xi32, #tpu.memory_space<vmem>>
    %dma_wait3A_261 = tpu.memref_squeeze %dma_wait3A_260 : memref<1x128xi32, #tpu.memory_space<vmem>> -> memref<128xi32, #tpu.memory_space<vmem>>
    %dma_wait3A_262 = arith.constant 0 : i32
    %dma_wait3A_263 = tpu.memref_slice %arg9[%dma_wait3A_262] : memref<262144xf32, #tpu.memory_space<vmem_shared>> -> memref<262144xf32, #tpu.memory_space<vmem_shared>>
    tpu.wait_indirect_dma semaphore(%arg12 : memref<!tpu.dma_semaphore, #tpu.memory_space<semaphore_mem>>) src(%dma_wait3A_258 : memref<128xf32, #tpu.memory_space<vmem>>) dst(%dma_wait3A_263 : memref<262144xf32, #tpu.memory_space<vmem_shared>>)
    %dma_wait3A_264 = arith.constant 0 : i32
    %dma_wait3A_265 = arith.constant 4 : i32
    %dma_wait3A_266 = arith.constant 0 : i32
    %dma_wait3A_267 = tpu.memref_slice %arg6[%dma_wait3A_264, %dma_wait3A_266] : memref<1x128xf32, #tpu.memory_space<vmem>> -> memref<1x128xf32, #tpu.memory_space<vmem>>
    %dma_wait3A_268 = tpu.memref_squeeze %dma_wait3A_267 : memref<1x128xf32, #tpu.memory_space<vmem>> -> memref<128xf32, #tpu.memory_space<vmem>>
    %dma_wait3A_269 = arith.constant 0 : i32
    %dma_wait3A_270 = tpu.memref_slice %arg7[%dma_wait3A_265, %dma_wait3A_269] : memref<8x128xi32, #tpu.memory_space<vmem>> -> memref<1x128xi32, #tpu.memory_space<vmem>>
    %dma_wait3A_271 = tpu.memref_squeeze %dma_wait3A_270 : memref<1x128xi32, #tpu.memory_space<vmem>> -> memref<128xi32, #tpu.memory_space<vmem>>
    %dma_wait3A_272 = arith.constant 0 : i32
    %dma_wait3A_273 = tpu.memref_slice %arg9[%dma_wait3A_272] : memref<262144xf32, #tpu.memory_space<vmem_shared>> -> memref<262144xf32, #tpu.memory_space<vmem_shared>>
    tpu.wait_indirect_dma semaphore(%arg12 : memref<!tpu.dma_semaphore, #tpu.memory_space<semaphore_mem>>) src(%dma_wait3A_268 : memref<128xf32, #tpu.memory_space<vmem>>) dst(%dma_wait3A_273 : memref<262144xf32, #tpu.memory_space<vmem_shared>>)
    %dma_wait3A_274 = arith.constant 0 : i32
    %dma_wait3A_275 = arith.constant 5 : i32
    %dma_wait3A_276 = arith.constant 0 : i32
    %dma_wait3A_277 = tpu.memref_slice %arg6[%dma_wait3A_274, %dma_wait3A_276] : memref<1x128xf32, #tpu.memory_space<vmem>> -> memref<1x128xf32, #tpu.memory_space<vmem>>
    %dma_wait3A_278 = tpu.memref_squeeze %dma_wait3A_277 : memref<1x128xf32, #tpu.memory_space<vmem>> -> memref<128xf32, #tpu.memory_space<vmem>>
    %dma_wait3A_279 = arith.constant 0 : i32
    %dma_wait3A_280 = tpu.memref_slice %arg7[%dma_wait3A_275, %dma_wait3A_279] : memref<8x128xi32, #tpu.memory_space<vmem>> -> memref<1x128xi32, #tpu.memory_space<vmem>>
    %dma_wait3A_281 = tpu.memref_squeeze %dma_wait3A_280 : memref<1x128xi32, #tpu.memory_space<vmem>> -> memref<128xi32, #tpu.memory_space<vmem>>
    %dma_wait3A_282 = arith.constant 0 : i32
    %dma_wait3A_283 = tpu.memref_slice %arg9[%dma_wait3A_282] : memref<262144xf32, #tpu.memory_space<vmem_shared>> -> memref<262144xf32, #tpu.memory_space<vmem_shared>>
    tpu.wait_indirect_dma semaphore(%arg12 : memref<!tpu.dma_semaphore, #tpu.memory_space<semaphore_mem>>) src(%dma_wait3A_278 : memref<128xf32, #tpu.memory_space<vmem>>) dst(%dma_wait3A_283 : memref<262144xf32, #tpu.memory_space<vmem_shared>>)
    %dma_wait3A_284 = arith.constant 0 : i32
    %dma_wait3A_285 = arith.constant 6 : i32
    %dma_wait3A_286 = arith.constant 0 : i32
    %dma_wait3A_287 = tpu.memref_slice %arg6[%dma_wait3A_284, %dma_wait3A_286] : memref<1x128xf32, #tpu.memory_space<vmem>> -> memref<1x128xf32, #tpu.memory_space<vmem>>
    %dma_wait3A_288 = tpu.memref_squeeze %dma_wait3A_287 : memref<1x128xf32, #tpu.memory_space<vmem>> -> memref<128xf32, #tpu.memory_space<vmem>>
    %dma_wait3A_289 = arith.constant 0 : i32
    %dma_wait3A_290 = tpu.memref_slice %arg7[%dma_wait3A_285, %dma_wait3A_289] : memref<8x128xi32, #tpu.memory_space<vmem>> -> memref<1x128xi32, #tpu.memory_space<vmem>>
    %dma_wait3A_291 = tpu.memref_squeeze %dma_wait3A_290 : memref<1x128xi32, #tpu.memory_space<vmem>> -> memref<128xi32, #tpu.memory_space<vmem>>
    %dma_wait3A_292 = arith.constant 0 : i32
    %dma_wait3A_293 = tpu.memref_slice %arg9[%dma_wait3A_292] : memref<262144xf32, #tpu.memory_space<vmem_shared>> -> memref<262144xf32, #tpu.memory_space<vmem_shared>>
    tpu.wait_indirect_dma semaphore(%arg12 : memref<!tpu.dma_semaphore, #tpu.memory_space<semaphore_mem>>) src(%dma_wait3A_288 : memref<128xf32, #tpu.memory_space<vmem>>) dst(%dma_wait3A_293 : memref<262144xf32, #tpu.memory_space<vmem_shared>>)
    %dma_wait3A_294 = arith.constant 0 : i32
    %dma_wait3A_295 = arith.constant 7 : i32
    %dma_wait3A_296 = arith.constant 0 : i32
    %dma_wait3A_297 = tpu.memref_slice %arg6[%dma_wait3A_294, %dma_wait3A_296] : memref<1x128xf32, #tpu.memory_space<vmem>> -> memref<1x128xf32, #tpu.memory_space<vmem>>
    %dma_wait3A_298 = tpu.memref_squeeze %dma_wait3A_297 : memref<1x128xf32, #tpu.memory_space<vmem>> -> memref<128xf32, #tpu.memory_space<vmem>>
    %dma_wait3A_299 = arith.constant 0 : i32
    %dma_wait3A_300 = tpu.memref_slice %arg7[%dma_wait3A_295, %dma_wait3A_299] : memref<8x128xi32, #tpu.memory_space<vmem>> -> memref<1x128xi32, #tpu.memory_space<vmem>>
    %dma_wait3A_301 = tpu.memref_squeeze %dma_wait3A_300 : memref<1x128xi32, #tpu.memory_space<vmem>> -> memref<128xi32, #tpu.memory_space<vmem>>
    %dma_wait3A_302 = arith.constant 0 : i32
    %dma_wait3A_303 = tpu.memref_slice %arg9[%dma_wait3A_302] : memref<262144xf32, #tpu.memory_space<vmem_shared>> -> memref<262144xf32, #tpu.memory_space<vmem_shared>>
    tpu.wait_indirect_dma semaphore(%arg12 : memref<!tpu.dma_semaphore, #tpu.memory_space<semaphore_mem>>) src(%dma_wait3A_298 : memref<128xf32, #tpu.memory_space<vmem>>) dst(%dma_wait3A_303 : memref<262144xf32, #tpu.memory_space<vmem_shared>>)
    %barrier3A_304 = arith.constant 0 : index
    tpu.barrier barrier_id(%barrier3A_304)
    %mul3A_305 = arith.constant 16384 : i32
    %mul3A_306 = arith.muli %arg1, %mul3A_305 : i32
    %dma_start3A_307 = arith.constant 0 : i32
    %dma_start3A_308 = tpu.memref_slice %arg3[%add3A, %dma_start3A_307] : memref<32x16384xf32, #tpu.memory_space<hbm>> -> memref<1x16384xf32, #tpu.memory_space<hbm>>
    %dma_start3A_309 = tpu.memref_squeeze %dma_start3A_308 : memref<1x16384xf32, #tpu.memory_space<hbm>> -> memref<16384xf32, #tpu.memory_space<hbm>>
    %dma_start3A_310 = tpu.memref_slice %arg9[%mul3A_306] : memref<262144xf32, #tpu.memory_space<vmem_shared>> -> memref<16384xf32, #tpu.memory_space<vmem_shared>>
    tpu.enqueue_dma source(%dma_start3A_310 : memref<16384xf32, #tpu.memory_space<vmem_shared>>) target(%dma_start3A_309 : memref<16384xf32, #tpu.memory_space<hbm>>) target_semaphore(%arg13 : memref<!tpu.dma_semaphore, #tpu.memory_space<semaphore_mem>>)
    %dma_wait3A_311 = arith.constant 0 : i32
    %dma_wait3A_312 = tpu.memref_slice %arg3[%add3A, %dma_wait3A_311] : memref<32x16384xf32, #tpu.memory_space<hbm>> -> memref<1x16384xf32, #tpu.memory_space<hbm>>
    %dma_wait3A_313 = tpu.memref_squeeze %dma_wait3A_312 : memref<1x16384xf32, #tpu.memory_space<hbm>> -> memref<16384xf32, #tpu.memory_space<hbm>>
    %dma_wait3A_314 = tpu.memref_slice %arg9[%mul3A_306] : memref<262144xf32, #tpu.memory_space<vmem_shared>> -> memref<16384xf32, #tpu.memory_space<vmem_shared>>
    tpu.wait_dma2 semaphore(%arg13 : memref<!tpu.dma_semaphore, #tpu.memory_space<semaphore_mem>>) src(%dma_wait3A_314 : memref<16384xf32, #tpu.memory_space<vmem_shared>>) dst(%dma_wait3A_313 : memref<16384xf32, #tpu.memory_space<hbm>>)
    return
  }
}

module attributes {stable_mosaic.version = 14 : i64} {
  func.func @_stage_a(%arg0: memref<512x128xf32, #tpu.memory_space<vmem>>, %arg1: memref<128x128xf32, #tpu.memory_space<vmem>>, %arg2: memref<128xf32, #tpu.memory_space<vmem>>, %arg3: memref<128x128xf32, #tpu.memory_space<vmem>>, %arg4: memref<128xf32, #tpu.memory_space<vmem>>, %arg5: memref<128xf32, #tpu.memory_space<vmem>>, %arg6: memref<512x128xf32, #tpu.memory_space<vmem>>, %arg7: memref<512x128xf32, #tpu.memory_space<vmem>>, %arg8: memref<512xf32, #tpu.memory_space<vmem>>, %arg9: memref<512xf32, #tpu.memory_space<vmem>>) attributes {dimension_semantics = [], scalar_prefetch = 0 : i64, scratch_operands = 0 : i64, tpu.core_type = #tpu.core_type<tc>} {
    %get3A = arith.constant 0 : index
    %get3A_0 = arith.constant 0 : index
    %get3A_1 = vector.load %arg0[%get3A, %get3A_0] : memref<512x128xf32, #tpu.memory_space<vmem>>, vector<512x128xf32>
    %get3A_2 = arith.constant 0 : index
    %get3A_3 = arith.constant 0 : index
    %get3A_4 = vector.load %arg1[%get3A_2, %get3A_3] : memref<128x128xf32, #tpu.memory_space<vmem>>, vector<128x128xf32>
    %dot_general3A = arith.constant dense<0.000000e+00> : vector<512x128xf32>
    %dot_general3A_5 = tpu.matmul %get3A_1, %get3A_4, %dot_general3A {dimension_numbers = #tpu.dot_dimension_numbers<[1], [1], [0], [0], [0, 0, 1, 0], [], []>, transpose_lhs_hint = false} : vector<512x128xf32>, vector<128x128xf32>, vector<512x128xf32> -> vector<512x128xf32>
    %get3A_6 = arith.constant 0 : index
    %get3A_7 = vector.load %arg2[%get3A_6] : memref<128xf32, #tpu.memory_space<vmem>>, vector<128xf32>
    %broadcast_in_dim3A = vector.shape_cast %get3A_7 : vector<128xf32> to vector<1x128xf32>
    %add3A = vector.broadcast %broadcast_in_dim3A : vector<1x128xf32> to vector<512x128xf32>
    %add3A_8 = arith.addf %dot_general3A_5, %add3A : vector<512x128xf32>
    %tanh3A = math.tanh %add3A_8 : vector<512x128xf32>
    %get3A_9 = arith.constant 0 : index
    %get3A_10 = arith.constant 0 : index
    %get3A_11 = vector.load %arg3[%get3A_9, %get3A_10] : memref<128x128xf32, #tpu.memory_space<vmem>>, vector<128x128xf32>
    %dot_general3A_12 = arith.constant dense<0.000000e+00> : vector<512x128xf32>
    %dot_general3A_13 = tpu.matmul %tanh3A, %get3A_11, %dot_general3A_12 {dimension_numbers = #tpu.dot_dimension_numbers<[1], [1], [0], [0], [0, 0, 1, 0], [], []>, transpose_lhs_hint = false} : vector<512x128xf32>, vector<128x128xf32>, vector<512x128xf32> -> vector<512x128xf32>
    %swap3A = arith.constant 0 : index
    %swap3A_14 = arith.constant 0 : index
    %swap3A_15 = vector.load %arg6[%swap3A, %swap3A_14] : memref<512x128xf32, #tpu.memory_space<vmem>>, vector<512x128xf32>
    tpu.vector_store %arg6[%swap3A, %swap3A_14], %tanh3A {strides = array<i32>} : memref<512x128xf32, #tpu.memory_space<vmem>>, vector<512x128xf32>,
    %swap3A_16 = arith.constant 0 : index
    %swap3A_17 = arith.constant 0 : index
    %swap3A_18 = vector.load %arg7[%swap3A_16, %swap3A_17] : memref<512x128xf32, #tpu.memory_space<vmem>>, vector<512x128xf32>
    tpu.vector_store %arg7[%swap3A_16, %swap3A_17], %dot_general3A_13 {strides = array<i32>} : memref<512x128xf32, #tpu.memory_space<vmem>>, vector<512x128xf32>,
    %get3A_19 = arith.constant 0 : index
    %get3A_20 = vector.load %arg4[%get3A_19] : memref<128xf32, #tpu.memory_space<vmem>>, vector<128xf32>
    %broadcast_in_dim3A_21 = vector.shape_cast %get3A_20 : vector<128xf32> to vector<1x128xf32>
    %mul3A = vector.broadcast %broadcast_in_dim3A_21 : vector<1x128xf32> to vector<512x128xf32>
    %mul3A_22 = arith.mulf %dot_general3A_13, %mul3A : vector<512x128xf32>
    %reduce_sum3A = arith.constant dense<0.000000e+00> : vector<512xf32>
    %reduce_sum3A_23 = vector.multi_reduction <add>, %mul3A_22, %reduce_sum3A [1] : vector<512x128xf32> to vector<512xf32>
    %swap3A_24 = arith.constant 0 : index
    %swap3A_25 = vector.load %arg8[%swap3A_24] : memref<512xf32, #tpu.memory_space<vmem>>, vector<512xf32>
    tpu.vector_store %arg8[%swap3A_24], %reduce_sum3A_23 {strides = array<i32>} : memref<512xf32, #tpu.memory_space<vmem>>, vector<512xf32>,
    %get3A_26 = arith.constant 0 : index
    %get3A_27 = vector.load %arg5[%get3A_26] : memref<128xf32, #tpu.memory_space<vmem>>, vector<128xf32>
    %broadcast_in_dim3A_28 = vector.shape_cast %get3A_27 : vector<128xf32> to vector<1x128xf32>
    %mul3A_29 = vector.broadcast %broadcast_in_dim3A_28 : vector<1x128xf32> to vector<512x128xf32>
    %mul3A_30 = arith.mulf %dot_general3A_13, %mul3A_29 : vector<512x128xf32>
    %reduce_sum3A_31 = arith.constant dense<0.000000e+00> : vector<512xf32>
    %reduce_sum3A_32 = vector.multi_reduction <add>, %mul3A_30, %reduce_sum3A_31 [1] : vector<512x128xf32> to vector<512xf32>
    %swap3A_33 = arith.constant 0 : index
    %swap3A_34 = vector.load %arg9[%swap3A_33] : memref<512xf32, #tpu.memory_space<vmem>>, vector<512xf32>
    tpu.vector_store %arg9[%swap3A_33], %reduce_sum3A_32 {strides = array<i32>} : memref<512xf32, #tpu.memory_space<vmem>>, vector<512xf32>,
    return
  }
}

module attributes {stable_mosaic.version = 14 : i64} {
  func.func @_stage_c(%arg0: memref<32x16384xf32, #tpu.memory_space<vmem>>, %arg1: memref<512xf32, #tpu.memory_space<vmem>>, %arg2: memref<512xf32, #tpu.memory_space<vmem>>, %arg3: memref<512x128xf32, #tpu.memory_space<vmem>>, %arg4: memref<512x128xf32, #tpu.memory_space<vmem>>, %arg5: memref<128xf32, #tpu.memory_space<vmem>>, %arg6: memref<32xi32, #tpu.memory_space<vmem>>, %arg7: memref<512xi32, #tpu.memory_space<vmem>>, %arg8: memref<128x128xf32, #tpu.memory_space<vmem>>, %arg9: memref<128xf32, #tpu.memory_space<vmem>>, %arg10: memref<128x128xf32, #tpu.memory_space<vmem>>, %arg11: memref<128xf32, #tpu.memory_space<vmem>>, %arg12: memref<128x128xf32, #tpu.memory_space<vmem>>, %arg13: memref<128xf32, #tpu.memory_space<vmem>>, %arg14: memref<128x128xf32, #tpu.memory_space<vmem>>, %arg15: memref<128xf32, #tpu.memory_space<vmem>>, %arg16: memref<512x384xf32, #tpu.memory_space<vmem>>) attributes {dimension_semantics = [], scalar_prefetch = 0 : i64, scratch_operands = 0 : i64, tpu.core_type = #tpu.core_type<tc>} {
    %get3A = arith.constant 0 : index
    %get3A_0 = arith.constant 0 : index
    %get3A_1 = vector.load %arg0[%get3A, %get3A_0] : memref<32x16384xf32, #tpu.memory_space<vmem>>, vector<16x16384xf32>
    %reshape3A = vector.shape_cast %get3A_1 : vector<16x16384xf32> to vector<512x512xf32>
    %get3A_2 = arith.constant 16 : index
    %get3A_3 = arith.constant 0 : index
    %get3A_4 = vector.load %arg0[%get3A_2, %get3A_3] : memref<32x16384xf32, #tpu.memory_space<vmem>>, vector<16x16384xf32>
    %reshape3A_5 = vector.shape_cast %get3A_4 : vector<16x16384xf32> to vector<512x512xf32>
    %add3A = arith.addf %reshape3A, %reshape3A_5 : vector<512x512xf32>
    %get3A_6 = arith.constant 0 : index
    %get3A_7 = vector.load %arg2[%get3A_6] : memref<512xf32, #tpu.memory_space<vmem>>, vector<512xf32>
    %broadcast_in_dim3A = vector.shape_cast %get3A_7 : vector<512xf32> to vector<512x1xf32>
    %get3A_8 = arith.constant 0 : index
    %get3A_9 = vector.load %arg1[%get3A_8] : memref<512xf32, #tpu.memory_space<vmem>>, vector<512xf32>
    %broadcast_in_dim3A_10 = vector.shape_cast %get3A_9 : vector<512xf32> to vector<1x512xf32>
    %add3A_11 = vector.broadcast %broadcast_in_dim3A : vector<512x1xf32> to vector<512x512xf32>
    %add3A_12 = vector.broadcast %broadcast_in_dim3A_10 : vector<1x512xf32> to vector<512x512xf32>
    %add3A_13 = arith.addf %add3A_11, %add3A_12 : vector<512x512xf32>
    %mul3A = arith.constant 2.000000e-01 : f32
    %mul3A_14 = vector.broadcast %mul3A : f32 to vector<512x512xf32>
    %mul3A_15 = arith.mulf %mul3A_14, %add3A_13 : vector<512x512xf32>
    %max3A = arith.maximumf %add3A_13, %mul3A_15 : vector<512x512xf32>
    %exp3A = math.exp %max3A : vector<512x512xf32>
    %mul3A_16 = arith.mulf %add3A, %exp3A : vector<512x512xf32>
    %get3A_17 = arith.constant 0 : index
    %get3A_18 = arith.constant 0 : index
    %get3A_19 = vector.load %arg3[%get3A_17, %get3A_18] : memref<512x128xf32, #tpu.memory_space<vmem>>, vector<512x128xf32>
    %dot_general3A = arith.constant dense<0.000000e+00> : vector<512x128xf32>
    %dot_general3A_20 = tpu.matmul %mul3A_16, %get3A_19, %dot_general3A {dimension_numbers = #tpu.dot_dimension_numbers<[1], [0], [0], [1], [0, 0, 1, 1], [], []>, transpose_lhs_hint = false} : vector<512x512xf32>, vector<512x128xf32>, vector<512x128xf32> -> vector<512x128xf32>
    %reduce_sum3A = arith.constant dense<0.000000e+00> : vector<512xf32>
    %reduce_sum3A_21 = vector.multi_reduction <add>, %mul3A_16, %reduce_sum3A [1] : vector<512x512xf32> to vector<512xf32>
    %broadcast_in_dim3A_22 = vector.shape_cast %reduce_sum3A_21 : vector<512xf32> to vector<512x1xf32>
    %add3A_23 = arith.constant 1.000000e-16 : f32
    %add3A_24 = vector.broadcast %add3A_23 : f32 to vector<512x1xf32>
    %add3A_25 = arith.addf %broadcast_in_dim3A_22, %add3A_24 : vector<512x1xf32>
    %div3A = vector.broadcast %add3A_25 : vector<512x1xf32> to vector<512x128xf32>
    %div3A_26 = arith.divf %dot_general3A_20, %div3A : vector<512x128xf32>
    %get3A_27 = arith.constant 0 : index
    %get3A_28 = vector.load %arg5[%get3A_27] : memref<128xf32, #tpu.memory_space<vmem>>, vector<128xf32>
    %broadcast_in_dim3A_29 = vector.shape_cast %get3A_28 : vector<128xf32> to vector<1x128xf32>
    %add3A_30 = vector.broadcast %broadcast_in_dim3A_29 : vector<1x128xf32> to vector<512x128xf32>
    %add3A_31 = arith.addf %div3A_26, %add3A_30 : vector<512x128xf32>
    %tanh3A = math.tanh %add3A_31 : vector<512x128xf32>
    %get3A_32 = arith.constant 0 : index
    %get3A_33 = vector.load %arg6[%get3A_32] : memref<32xi32, #tpu.memory_space<vmem>>, vector<32xi32>
    %iota3A = tpu.iota {dimensions = array<i32: 1>} : vector<32x512xi32>
    %broadcast_in_dim3A_34 = vector.shape_cast %get3A_33 : vector<32xi32> to vector<32x1xi32>
    %eq3A = vector.broadcast %broadcast_in_dim3A_34 : vector<32x1xi32> to vector<32x512xi32>
    %eq3A_35 = arith.cmpi eq, %iota3A, %eq3A : vector<32x512xi32>
    %convert_element_type3A = arith.extui %eq3A_35 : vector<32x512xi1> to vector<32x512xi32>
    %convert_element_type3A_36 = arith.sitofp %convert_element_type3A : vector<32x512xi32> to vector<32x512xf32>
    %dot_general3A_37 = arith.constant dense<0.000000e+00> : vector<32x128xf32>
    %dot_general3A_38 = tpu.matmul %convert_element_type3A_36, %tanh3A, %dot_general3A_37 {dimension_numbers = #tpu.dot_dimension_numbers<[1], [0], [0], [1], [0, 0, 1, 1], [], []>, transpose_lhs_hint = false} : vector<32x512xf32>, vector<512x128xf32>, vector<32x128xf32> -> vector<32x128xf32>
    %get3A_39 = arith.constant 0 : index
    %get3A_40 = arith.constant 0 : index
    %get3A_41 = vector.load %arg8[%get3A_39, %get3A_40] : memref<128x128xf32, #tpu.memory_space<vmem>>, vector<128x128xf32>
    %dot_general3A_42 = arith.constant dense<0.000000e+00> : vector<32x128xf32>
    %dot_general3A_43 = tpu.matmul %dot_general3A_38, %get3A_41, %dot_general3A_42 {dimension_numbers = #tpu.dot_dimension_numbers<[1], [1], [0], [0], [0, 0, 1, 0], [], []>, transpose_lhs_hint = false} : vector<32x128xf32>, vector<128x128xf32>, vector<32x128xf32> -> vector<32x128xf32>
    %get3A_44 = arith.constant 0 : index
    %get3A_45 = vector.load %arg9[%get3A_44] : memref<128xf32, #tpu.memory_space<vmem>>, vector<128xf32>
    %broadcast_in_dim3A_46 = vector.shape_cast %get3A_45 : vector<128xf32> to vector<1x128xf32>
    %add3A_47 = vector.broadcast %broadcast_in_dim3A_46 : vector<1x128xf32> to vector<32x128xf32>
    %add3A_48 = arith.addf %dot_general3A_43, %add3A_47 : vector<32x128xf32>
    %get3A_49 = arith.constant 0 : index
    %get3A_50 = arith.constant 0 : index
    %get3A_51 = vector.load %arg10[%get3A_49, %get3A_50] : memref<128x128xf32, #tpu.memory_space<vmem>>, vector<128x128xf32>
    %dot_general3A_52 = arith.constant dense<0.000000e+00> : vector<32x128xf32>
    %dot_general3A_53 = tpu.matmul %dot_general3A_38, %get3A_51, %dot_general3A_52 {dimension_numbers = #tpu.dot_dimension_numbers<[1], [1], [0], [0], [0, 0, 1, 0], [], []>, transpose_lhs_hint = false} : vector<32x128xf32>, vector<128x128xf32>, vector<32x128xf32> -> vector<32x128xf32>
    %get3A_54 = arith.constant 0 : index
    %get3A_55 = vector.load %arg11[%get3A_54] : memref<128xf32, #tpu.memory_space<vmem>>, vector<128xf32>
    %broadcast_in_dim3A_56 = vector.shape_cast %get3A_55 : vector<128xf32> to vector<1x128xf32>
    %add3A_57 = vector.broadcast %broadcast_in_dim3A_56 : vector<1x128xf32> to vector<32x128xf32>
    %add3A_58 = arith.addf %dot_general3A_53, %add3A_57 : vector<32x128xf32>
    %get3A_59 = arith.constant 0 : index
    %get3A_60 = arith.constant 0 : index
    %get3A_61 = vector.load %arg12[%get3A_59, %get3A_60] : memref<128x128xf32, #tpu.memory_space<vmem>>, vector<128x128xf32>
    %dot_general3A_62 = arith.constant dense<0.000000e+00> : vector<32x128xf32>
    %dot_general3A_63 = tpu.matmul %dot_general3A_38, %get3A_61, %dot_general3A_62 {dimension_numbers = #tpu.dot_dimension_numbers<[1], [1], [0], [0], [0, 0, 1, 0], [], []>, transpose_lhs_hint = false} : vector<32x128xf32>, vector<128x128xf32>, vector<32x128xf32> -> vector<32x128xf32>
    %get3A_64 = arith.constant 0 : index
    %get3A_65 = vector.load %arg13[%get3A_64] : memref<128xf32, #tpu.memory_space<vmem>>, vector<128xf32>
    %broadcast_in_dim3A_66 = vector.shape_cast %get3A_65 : vector<128xf32> to vector<1x128xf32>
    %add3A_67 = vector.broadcast %broadcast_in_dim3A_66 : vector<1x128xf32> to vector<32x128xf32>
    %add3A_68 = arith.addf %dot_general3A_63, %add3A_67 : vector<32x128xf32>
    %dot_general3A_69 = arith.constant dense<0.000000e+00> : vector<32x32xf32>
    %dot_general3A_70 = tpu.matmul %add3A_48, %add3A_58, %dot_general3A_69 {dimension_numbers = #tpu.dot_dimension_numbers<[1], [1], [0], [0], [0, 0, 1, 0], [], []>, transpose_lhs_hint = false} : vector<32x128xf32>, vector<32x128xf32>, vector<32x32xf32> -> vector<32x32xf32>
    %sqrt3A = arith.constant 1.280000e+02 : f32
    %sqrt3A_71 = math.sqrt %sqrt3A : f32
    %div3A_72 = vector.broadcast %sqrt3A_71 : f32 to vector<32x32xf32>
    %div3A_73 = arith.divf %dot_general3A_70, %div3A_72 : vector<32x32xf32>
    %reduce_max3A = arith.constant dense<0xFF800000> : vector<32xf32>
    %reduce_max3A_74 = vector.multi_reduction <maximumf>, %div3A_73, %reduce_max3A [1] : vector<32x32xf32> to vector<32xf32>
    %broadcast_in_dim3A_75 = vector.shape_cast %reduce_max3A_74 : vector<32xf32> to vector<32x1xf32>
    %sub3A = vector.broadcast %broadcast_in_dim3A_75 : vector<32x1xf32> to vector<32x32xf32>
    %sub3A_76 = arith.subf %div3A_73, %sub3A : vector<32x32xf32>
    %exp3A_77 = math.exp %sub3A_76 : vector<32x32xf32>
    %reduce_sum3A_78 = arith.constant dense<0.000000e+00> : vector<32xf32>
    %reduce_sum3A_79 = vector.multi_reduction <add>, %exp3A_77, %reduce_sum3A_78 [1] : vector<32x32xf32> to vector<32xf32>
    %broadcast_in_dim3A_80 = vector.shape_cast %reduce_sum3A_79 : vector<32xf32> to vector<32x1xf32>
    %div3A_81 = vector.broadcast %broadcast_in_dim3A_80 : vector<32x1xf32> to vector<32x32xf32>
    %div3A_82 = arith.divf %exp3A_77, %div3A_81 : vector<32x32xf32>
    %dot_general3A_83 = arith.constant dense<0.000000e+00> : vector<32x128xf32>
    %dot_general3A_84 = tpu.matmul %div3A_82, %add3A_68, %dot_general3A_83 {dimension_numbers = #tpu.dot_dimension_numbers<[1], [0], [0], [1], [0, 0, 1, 1], [], []>, transpose_lhs_hint = false} : vector<32x32xf32>, vector<32x128xf32>, vector<32x128xf32> -> vector<32x128xf32>
    %get3A_85 = arith.constant 0 : index
    %get3A_86 = arith.constant 0 : index
    %get3A_87 = vector.load %arg14[%get3A_85, %get3A_86] : memref<128x128xf32, #tpu.memory_space<vmem>>, vector<128x128xf32>
    %dot_general3A_88 = arith.constant dense<0.000000e+00> : vector<32x128xf32>
    %dot_general3A_89 = tpu.matmul %dot_general3A_84, %get3A_87, %dot_general3A_88 {dimension_numbers = #tpu.dot_dimension_numbers<[1], [1], [0], [0], [0, 0, 1, 0], [], []>, transpose_lhs_hint = false} : vector<32x128xf32>, vector<128x128xf32>, vector<32x128xf32> -> vector<32x128xf32>
    %get3A_90 = arith.constant 0 : index
    %get3A_91 = vector.load %arg15[%get3A_90] : memref<128xf32, #tpu.memory_space<vmem>>, vector<128xf32>
    %broadcast_in_dim3A_92 = vector.shape_cast %get3A_91 : vector<128xf32> to vector<1x128xf32>
    %add3A_93 = vector.broadcast %broadcast_in_dim3A_92 : vector<1x128xf32> to vector<32x128xf32>
    %add3A_94 = arith.addf %dot_general3A_89, %add3A_93 : vector<32x128xf32>
    %get3A_95 = arith.constant 0 : index
    %get3A_96 = vector.load %arg7[%get3A_95] : memref<512xi32, #tpu.memory_space<vmem>>, vector<512xi32>
    %iota3A_97 = tpu.iota {dimensions = array<i32: 1>} : vector<512x32xi32>
    %broadcast_in_dim3A_98 = vector.shape_cast %get3A_96 : vector<512xi32> to vector<512x1xi32>
    %eq3A_99 = vector.broadcast %broadcast_in_dim3A_98 : vector<512x1xi32> to vector<512x32xi32>
    %eq3A_100 = arith.cmpi eq, %iota3A_97, %eq3A_99 : vector<512x32xi32>
    %convert_element_type3A_101 = arith.extui %eq3A_100 : vector<512x32xi1> to vector<512x32xi32>
    %convert_element_type3A_102 = arith.sitofp %convert_element_type3A_101 : vector<512x32xi32> to vector<512x32xf32>
    %dot_general3A_103 = arith.constant dense<0.000000e+00> : vector<512x128xf32>
    %dot_general3A_104 = tpu.matmul %convert_element_type3A_102, %add3A_94, %dot_general3A_103 {dimension_numbers = #tpu.dot_dimension_numbers<[1], [0], [0], [1], [0, 0, 1, 1], [], []>, transpose_lhs_hint = false} : vector<512x32xf32>, vector<32x128xf32>, vector<512x128xf32> -> vector<512x128xf32>
    %get3A_105 = arith.constant 0 : index
    %get3A_106 = arith.constant 0 : index
    %get3A_107 = vector.load %arg4[%get3A_105, %get3A_106] : memref<512x128xf32, #tpu.memory_space<vmem>>, vector<512x128xf32>
    %swap3A = arith.constant 0 : index
    %swap3A_108 = arith.constant 0 : index
    %swap3A_109 = vector.load %arg16[%swap3A, %swap3A_108] : memref<512x384xf32, #tpu.memory_space<vmem>>, vector<512x128xf32>
    tpu.vector_store %arg16[%swap3A, %swap3A_108], %get3A_107 {strides = array<i32>} : memref<512x384xf32, #tpu.memory_space<vmem>>, vector<512x128xf32>,
    %swap3A_110 = arith.constant 0 : index
    %swap3A_111 = arith.constant 128 : index
    %swap3A_112 = vector.load %arg16[%swap3A_110, %swap3A_111] : memref<512x384xf32, #tpu.memory_space<vmem>>, vector<512x128xf32>
    tpu.vector_store %arg16[%swap3A_110, %swap3A_111], %dot_general3A_104 {strides = array<i32>} : memref<512x384xf32, #tpu.memory_space<vmem>>, vector<512x128xf32>,
    %swap3A_113 = arith.constant 0 : index
    %swap3A_114 = arith.constant 256 : index
    %swap3A_115 = vector.load %arg16[%swap3A_113, %swap3A_114] : memref<512x384xf32, #tpu.memory_space<vmem>>, vector<512x128xf32>
    tpu.vector_store %arg16[%swap3A_113, %swap3A_114], %tanh3A {strides = array<i32>} : memref<512x384xf32, #tpu.memory_space<vmem>>, vector<512x128xf32>,
    return
  }
}

</mosaic_0001>

<sc_bundles>
// kernel: kernel.5.cloned.1.call-start
scs
__scs_entry_jumppad:
0x0: {  	(pc) =	sbr.rel $0x88, $3  }
0x1: {  	(tag) =	ssettag $0x0;
	lr =	simm.s32 $0x1  }
0x2: {  	[smem:$0x3F8F] =	sst lr;
	_ =	strace $0xD0000000  }
0x3: {  	_ = 	snop  }
0x4: {  	_ = 	snop  }
0x5: {  	_ = 	snop  }
0x6: {  	_ = 	snop  }
0x7: {  	_ = 	snop  }
__scs_overlays_trampoline_lowered:
0x8: {  	[smem:$0x3F9E] =	sst s0  }
0x9: {  	[smem:$0x3F9F] =	sst s1  }
0xa: {  	[smem:$0x3FA0] =	sst s2  }
0xb: {  	[smem:$0x3FA1] =	sst s3  }
0xc: {  	[smem:$0x3FA2] =	sst s4  }
0xd: {  	[smem:$0x3FA3] =	sst s5  }
0xe: {  	[smem:$0x3FA4] =	sst s6  }
0xf: {  	[smem:$0x3FA5] =	sst s7  }
0x10: {  	[smem:$0x3FA6] =	sst s8  }
0x11: {  	[smem:$0x3FA7] =	sst s9;
	s0 =	simm.s32 @!p0 $0x0  }
0x12: {  	s1 =	sld [smem:$0x3F8D];
	s0 =	simm.s32 @p0 $0x1  }
0x13: {  	[smem:$0x3FA8] =	sst s0;
	s0 =	simm.s32 @!p1 $0x0  }
0x14: {  	s2 =	sld [smem:$0x3F8C];
	s0 =	simm.s32 @p1 $0x1  }
0x15: {  	[smem:$0x3FA9] =	sst s0;
	s0 =	simm.s32 @!p2 $0x0  }
0x16: {  	s3 =	sld [smem:$0x3FDB];
	s0 =	simm.s32 @p2 $0x1  }
0x17: {  	s4 =	simm.s32 $0x1BF5;
	[smem:$0x3FAB] =	sst s0  }
0x18: {  	s0 =	sld [smem:$0x3F8E];
	_ =	swait.ge [sflag:s4], $0x0  }
0x19: {  	s7 =	sld [smem:$0x3F8F]  }
0x1a: {  	s8 =	sadd.s32 $0xFFFFE003, lr  }
0x1b: {  	s9 =	sadd.s32 $0xFFFFFEF7, lr;
	s5 =	simm.s32 $0xFFFFFFFF;
	p2 =	slt.u32 s8, $0xFFFFF086  }
0x1c: {  	p1 =	slt.u32 s9, $0xF7A;
	s5 =	simm.s32 @!p2 $0x0  }
0x1d: {  	s5 =	simm.s32 @p1 $0x1;
	p0 =	seq.s32 s7, s2  }
0x1e: {  	s7 =	smul.u32 @!p0 $0xF7A, s2;
	p2 =	seq.s32 @!p0 s5, $0x0  }
0x1f: {  	s9 =	smul.u32 $0xF7A, s1;
	s8 =	simm.s32 @!p0 $0x1BF5;
	p2 =	por !p2, p0  }
0x20: {  	[sflag:s8] =	ssyncset.s32 @!p0 $0xFFFFF086;
	s6 =	sadd.s32 @!p0 s3, s7;
	s7 =	simm.s32 @!p0 $0x108  }
0x21: {  	s3 =	sadd.s32 s3, s9;
	s6 =	sadd.s32 @!p0 $0x88, s6;
	s7 =	simm.s32 @p2 $0x1082  }
0x22: {  	[simem:s7], [sflag:s8] =	dma.local @!p0 [hbm:s6], $0xF7A  }
0x23: {  	s9 =	sor.u32 $0xD0000000, s2;
	s6 =	simm.s32 $0x108;
	_ =	swait.ge @!p0 [sflag:s8], $0x0  }
0x24: {  	s3 =	sadd.s32 $0x88, s3;
	s6 =	simm.s32 @!p1 $0x1082;
	[sflag:s4] =	ssyncset.s32 $0xFFFFF086  }
0x25: {  	[simem:s6], [sflag:s4] =	dma.local [hbm:s3], $0xF7A  }
0x26: {  	[smem:$0x3F8F] =	sst s1;
	(tag) =	ssettag s2;
	_ =	strace s9  }
0x27: {  	s1 =	sld [smem:$0x3F9F]  }
0x28: {  	s2 =	sld [smem:$0x3FA0]  }
0x29: {  	s4 =	sld [smem:$0x3FA2]  }
0x2a: {  	p0 =	seq.s32 s5, $0x0;
	s5 =	sld [smem:$0x3FA3]  }
0x2b: {  	s6 =	sld [smem:$0x3FA4]  }
0x2c: {  	s7 =	sld [smem:$0x3FA5]  }
0x2d: {  	s3 =	simm.s32 $0x108;
	s8 =	sld [smem:$0x3FA6]  }
0x2e: {  	s3 =	simm.s32 @!p0 $0x1082;
	s9 =	sld [smem:$0x3FA7]  }
0x2f: {  	lr =	sadd.s32 s0, s3;
	s0 =	sld [smem:$0x3F9E]  }
0x30: {  	s3 =	sld [smem:$0x3FA1]  }
0x31: {  	[smem:$0x3FAA] =	sst s10  }
0x32: {  	s10 =	sld [smem:$0x3FA8];
	_ =	sdelay $0x3  }
0x33: {  	p0 =	seq.s32 s10, $0x1;
	s10 =	sld [smem:$0x3FAA];
	_ =	sdelay $0x3  }
0x34: {  	[smem:$0x3FAA] =	sst s10  }
0x35: {  	s10 =	sld [smem:$0x3FA9];
	_ =	sdelay $0x3  }
0x36: {  	p1 =	seq.s32 s10, $0x1;
	s10 =	sld [smem:$0x3FAA];
	_ =	sdelay $0x3  }
0x37: {  	[smem:$0x3FAA] =	sst s10  }
0x38: {  	s10 =	sld [smem:$0x3FAB]  }
0x39: {  	_ = 	snop;
	(pc) =	sbr.ind lr, $3  }
0x3a: {  	_ = 	snop  }
0x3b: {  	_ = 	snop  }
0x3c: {  	p2 =	seq.s32 s10, $0x1;
	s10 =	sld [smem:$0x3FAA]  }
0x3d: {  	_ =	shalt  }
0x3e: {  	_ =	shalt  }
0x3f: {  	_ =	shalt  }
0x40: {  	_ =	shalt  }
0x41: {  	_ =	shalt  }
0x42: {  	_ =	shalt  }
0x43: {  	_ =	shalt  }
0x44: {  	_ =	shalt  }
0x45: {  	_ =	shalt  }
0x46: {  	_ =	shalt  }
0x47: {  	_ =	shalt  }
0x48: {  	_ =	shalt  }
0x49: {  	_ =	shalt  }
0x4a: {  	_ =	shalt  }
0x4b: {  	_ =	shalt  }
0x4c: {  	_ =	shalt  }
0x4d: {  	_ =	shalt  }
0x4e: {  	_ =	shalt  }
0x4f: {  	_ =	shalt  }
0x50: {  	_ =	shalt  }
0x51: {  	_ =	shalt  }
0x52: {  	_ =	shalt  }
0x53: {  	_ =	shalt  }
0x54: {  	_ =	shalt  }
0x55: {  	_ =	shalt  }
0x56: {  	_ =	shalt  }
0x57: {  	_ =	shalt  }
0x58: {  	_ =	shalt  }
0x59: {  	_ =	shalt  }
0x5a: {  	_ =	shalt  }
0x5b: {  	_ =	shalt  }
0x5c: {  	_ =	shalt  }
0x5d: {  	_ =	shalt  }
0x5e: {  	_ =	shalt  }
0x5f: {  	_ =	shalt  }
0x60: {  	_ =	shalt  }
0x61: {  	_ =	shalt  }
0x62: {  	_ =	shalt  }
0x63: {  	_ =	shalt  }
0x64: {  	_ =	shalt  }
0x65: {  	_ =	shalt  }
0x66: {  	_ =	shalt  }
0x67: {  	_ =	shalt  }
0x68: {  	_ =	shalt  }
0x69: {  	_ =	shalt  }
0x6a: {  	_ =	shalt  }
0x6b: {  	_ =	shalt  }
0x6c: {  	_ =	shalt  }
0x6d: {  	_ =	shalt  }
0x6e: {  	_ =	shalt  }
0x6f: {  	_ =	shalt  }
0x70: {  	_ =	shalt  }
0x71: {  	_ =	shalt  }
0x72: {  	_ =	shalt  }
0x73: {  	_ =	shalt  }
0x74: {  	_ =	shalt  }
0x75: {  	_ =	shalt  }
0x76: {  	_ =	shalt  }
0x77: {  	_ =	shalt  }
0x78: {  	_ =	shalt  }
0x79: {  	_ =	shalt  }
0x7a: {  	_ =	shalt  }
0x7b: {  	_ =	shalt  }
0x7c: {  	_ =	shalt  }
0x7d: {  	_ =	shalt  }
0x7e: {  	_ =	shalt  }
0x7f: {  	_ =	shalt  }
0x80: {  	_ =	shalt  }
0x81: {  	_ =	shalt  }
0x82: {  	_ =	shalt  }
0x83: {  	_ =	shalt  }
0x84: {  	_ =	shalt  }
0x85: {  	_ =	shalt  }
0x86: {  	_ =	shalt  }
0x87: {  	_ =	shalt  }
.Lfunc_end0:
.L_simem_size_0:
called_computation_lowered:
.L_overlay_start_0:
0x88: {  	s2 =	sld [smem:$0x3FD9]  }
0x89: {  	s3 =	sld [smem:$0x3FFE];
	_ =	sdelay $0x1  }
0x8a: {  	s1 =	srdreg.scid  }
0x8b: {  	s0 =	sand.u32 $0x1, s1  }
0x8c: {  	s17 =	sshll.u32 s0, $0xA;
	s2 =	sadd.s32 s3, s2  }
0x8d: {  	s2 =	sadd.s32 s2, s17  }
0x8e: {  	[smem:$0x3FB6] =	sst s2  }
0x8f: {  	_ = 	snop  }
0x90: {  	s2 =	sld [smem:$0x3FC8];
	(tm) =	ssettm $0x1  }
0x91: {  	s18 =	sld [smem:$0x3FFB];
	_ =	sdelay $0x3  }
0x92: {  	_ =	strace s18  }
0x93: {  	s3 =	sld [smem:$0x3FFC];
	_ =	sdelay $0x3  }
0x94: {  	_ =	strace s3  }
0x95: {  	s3 =	sld [smem:$0x3FFD];
	_ =	sdelay $0x3  }
0x96: {  	_ =	strace s3  }
0x97: {  	_ =	strace $0x8FFFFFFF  }
0x98: {  	s19 =	sld [smem:$0x3FDB];
	_ =	sdelay $0x1  }
0x99: {  	s4 =	simm.s32 $_scs_section_size  }
0x9a: {  	s5 =	simm.s32 $_size__tile_overlayer_lowered;
	s6 =	simm.s32 $_tile_overlayer_lowered  }
0x9b: {  	s22 =	simm.s32 $0x1BFF;
	s21 =	sshll.u32 s6, $0x1;
	s3 =	sadd.s32 s4, s19  }
0x9c: {  	s7 =	simm.s32 $0x0;
	s20 =	sshll.u32 s5, $0x1;
	s5 =	sadd.s32 s21, s3  }
0x9d: {  	[timem:s7], [sflag:s22] =	dma.local [hbm:s5], s20  }
0x9e: {  	_ =	swait.ge [sflag:s22], s20  }
0x9f: {  	s4 =	ssub.s32 $0x0, s20;
	[sflag:s22] =	ssyncset.done $0x0  }
0xa0: {  	[sflag:s22] =	ssyncadd.s32 s4;
	_ =	sdelay $0x1  }
0xa1: {  	s23 =	simm.s32 $0x1B8B  }
0xa2: {  	_ =	swait.ge [sflag:s23], $0x1  }
0xa3: {  	[sflag:s23] =	ssyncset.done $0x0  }
0xa4: {  	s25 =	simm.s32 $0x1B8E;
	s24 =	sld [smem:$0x3FFE];
	[sflag:s23] =	ssyncadd.s32 $0xFFFFFFFF  }
0xa5: {  	s26 =	simm.s32 $execute0_lowered;
	[smem:$0x3FD2] =	sst s25  }
0xa6: {  	s5 =	sshll.u32 s26, $0x1;
	_ =	strace $0x80000046;
	[dreg:$0x1] =	wrdreg $0xFFFFFFFF  }
0xa7: {  	s28 =	simm.s32 $_size_execute0_lowered;
	s3 =	sadd.s32 s3, s5;
	[dreg:$0x0] =	wrdreg $0x0  }
0xa8: {  	s5 =	sshll.u32 s28, $0x1;
	[dreg:$0x2] =	wrdreg s3  }
0xa9: {  	[dreg:$0x3] =	wrdreg s5  }
0xaa: {  	[dreg:$0x4] =	wrdreg $0xC0  }
0xab: {  	_ =	task [dreg:s7], $0x5FFFF  }
0xac: {  	[dreg:$0x1] =	wrdreg $0xFFFFFFFF  }
0xad: {  	[dreg:$0x0] =	wrdreg $0x60  }
0xae: {  	[dreg:$0x2] =	wrdreg s2  }
0xaf: {  	[dreg:$0x3] =	wrdreg s24  }
0xb0: {  	[dreg:$0x4] =	wrdreg $0x14800  }
0xb1: {  	[dreg:$0x5] =	wrdreg $0x9  }
0xb2: {  	_ =	task.clear_ibuf [dreg:s7], $0x6FFFF;
	_ =	strace $0x90000046  }
0xb3: {  	s29 =	simm.s32 $0x9;
	_ =	strace $0x80000048  }
0xb4: {  	_ =	swait.ge [sflag:s29], $0x1  }
0xb5: {  	[sflag:s29] =	ssyncadd.s32 $0xFFFFFFFF  }
0xb6: {  	_ =	strace $0x90000048  }
0xb7: {  	_ =	sfence  }
0xb8: {  	s30 =	sld [smem:$0x0];
	_ =	sdelay $0x2  }
0xb9: {  	s31 =	sshll.u32 s1, $0xD;
	s1 =	sshrl.u32 s1, $0x2  }
0xba: {  	s3 =	sand.u32 $0x4000, s31;
	s1 =	sadd.s32 s1, s30  }
0xbb: {  	s0 =	sor.u32 s3, s0;
	s1 =	sshll.u32 s1, $0x11  }
0xbc: {  	s0 =	sor.u32 s1, s0  }
0xbd: {  	s0 =	sadd.s32 $0x8F2B, s0  }
0xbe: {  	[sflag:s0] =	ssyncadd.remote.s32 $0x1  }
0xbf: {  	_ =	sfence.sel $0xFFFF  }
0xc0: {  	[dreg:$0x0] =	wrdreg $0xFFFFFFFF;
	(pc) =	sbr.abs _section_cstart, $3  }
0xc1: {  	[dreg:$0x1] =	wrdreg $0xFFFFFFFF  }
0xc2: {  	_ =	task.clear_ibuf [dreg:s7], $0x2FFFF;
	_ =	strace $0x9FFFFFFF  }
0xc3: {  	(tm) =	ssettm $0x7FFFFFFF  }
tec
execute0_lowered:
.L_overlay_start_1:
0x0: {  	(tag) =	ssettag $0x1  }
0x1: {  	s0 =	rddreg [dreg:$0x0]  }
0x2: {  	s3 =	rddreg [dreg:$0x1]  }
0x3: {  	s2 =	rddreg [dreg:$0x2];
	s1 =	stileid.u32  }
0x4: {  	s4 =	srdreg.scid;
	s6 =	simm.s32 $0x0;
	s16 =	simm.s32 $0x80  }
0x5: {  	s17 =	simm.s32 $0x100;
	s19 =	simm.s32 $0xC80;
	s20 =	simm.s32 $0x2  }
0x6: {  	s21 =	simm.s32 $0x1;
	s28 =	simm.s32 $0xA80;
	s29 =	simm.s32 $0xB00  }
0x7: {  	s30 =	simm.s32 $0xB80;
	s31 =	simm.s32 $0xC00;
	s18 =	simm.s32 $0x4  }
0x8: {  	s5 =	sshll.u32 s1, $0x4;
	s4 =	sand.u32 $0x1, s4;
	[smem:$0x7FF] =	sst s6  }
0x9: {  	s25 =	sshll.u32 s1, $0xE;
	s5 =	sand.u32 $0x70, s5;
	s22 =	sshll.u32 s4, $0x4  }
0xa: {  	_ =	strace $0x80000047;
	s23 =	ssub.s32 $0x2, s4;
	s3 =	sadd.s32 s5, s3  }
0xb: {  	s10 =	sor.u32 s1, s22;
	s7 =	sshrl.u32 s23, $0x1;
	s5 =	sadd.s32 s25, s2  }
0xc: {  	s22 =	simm.s32 $0x0;
	s24 =	sshll.u32 s10, $0x8;
	s26 =	ssub.s32 s23, s7  }
0xd: {  	s7 =	sadd.s32 $0x800, s5;
	s8 =	sadd.s32 $0x1000, s5;
	s9 =	sadd.s32 $0x1800, s5  }
0xe: {  	s12 =	sshll.u32 s10, $0xB;
	s10 =	sadd.s32 $0x2000, s5;
	s11 =	sadd.s32 $0x2800, s5  }
0xf: {  	s13 =	sadd.s32 $0x3800, s5;
	s23 =	simm.s32 $0x800;
	s4 =	sadd.s32 s0, s24  }
0x10: {  	s14 =	sand.u32 $0xC000, s12;
	s12 =	sadd.s32 $0x3000, s5;
	s15 =	smax.u32 s26, $0x1  }
0x11: {  	s26 =	simm.s32 $0xA00;
	s0 =	simm.s32 $0x3;
	s3 =	sadd.s32 s14, s3  }
0x12: {  	v0 =	vimm.f32 $0.0e+00;
	s6 =	sadd.s32 $0x10, s4;
	s14 =	sadd.s32 $0x2A00, s3;
	s3 =	simm.s32 $0x10  }
.LBB2_1:
0x13: {  	s24 =	simm.s32 $0x0  }
0x14: {  	[tilespmem:s24], [sflag:$0x2] =	stream.strided.gather [hbm4b:s4+s16], $0x400, s17, s16, $0x38;
	[tilespmem:$0x5480] =	vst v63  }
0x15: {  	s25 =	simm.s32 $0x400  }
0x16: {  	[tilespmem:s25], [sflag:$0x2] =	stream.strided.gather [hbm4b:s6+s16], $0x400, s17, s16, $0x38;
	[tilespmem:$0x5480] =	vst v63  }
0x17: {  	s24 =	simm.s32 $0x40;
	s25 =	simm.s32 $0x0  }
.LBB2_2:
0x18: {  	p0 =	sne.s32 s24, $0x1FC0;
	[tilespmem:s25+$0xC80] =	vst v0;
	s25 =	smov.u32 s24;
	s24 =	sadd.s32 $0x40, s24  }
.Ltmp0:
0x19: {  	(pc) =	sbr.rel @p0 .LBB2_2-.Ltmp0, $2  }
0x1a: {  	_ =	sdelay $0x2  }
0x1b: {  	s25 =	sshra.s32 s25, $0x2  }
0x1c: {  	[tilespmem:s25+$0xC80] =	vst v0  }
0x1d: {  	[spmem:s5] =	stream.linear.scatter [tilespmem:s19], [sflag:$0x1], $0x800, $0x38;
	[tilespmem:$0x5480] =	vst v63  }
0x1e: {  	_ = 	snop  }
0x1f: {  	[spmem:s7] =	stream.linear.scatter [tilespmem:s19], [sflag:$0x1], $0x800, $0x38;
	[tilespmem:$0x5480] =	vst v63  }
0x20: {  	_ = 	snop  }
0x21: {  	[spmem:s8] =	stream.linear.scatter [tilespmem:s19], [sflag:$0x1], $0x800, $0x38;
	[tilespmem:$0x5480] =	vst v63  }
0x22: {  	_ = 	snop  }
0x23: {  	[spmem:s9] =	stream.linear.scatter [tilespmem:s19], [sflag:$0x1], $0x800, $0x38;
	[tilespmem:$0x5480] =	vst v63  }
0x24: {  	_ = 	snop  }
0x25: {  	[spmem:s10] =	stream.linear.scatter [tilespmem:s19], [sflag:$0x1], $0x800, $0x38;
	[tilespmem:$0x5480] =	vst v63  }
0x26: {  	_ = 	snop  }
0x27: {  	[spmem:s11] =	stream.linear.scatter [tilespmem:s19], [sflag:$0x1], $0x800, $0x38;
	[tilespmem:$0x5480] =	vst v63  }
0x28: {  	_ = 	snop  }
0x29: {  	[spmem:s12] =	stream.linear.scatter [tilespmem:s19], [sflag:$0x1], $0x800, $0x38;
	[tilespmem:$0x5480] =	vst v63  }
0x2a: {  	_ = 	snop  }
0x2b: {  	v1 =	vimm.f32 $1.000000000e+00;
	[spmem:s13] =	stream.linear.scatter [tilespmem:s19], [sflag:$0x1], $0x800, $0x38;
	[tilespmem:$0x5480] =	vst v63  }
0x2c: {  	[tilespmem:$0x800] =	vst v1  }
0x2d: {  	[tilespmem:$0x810] =	vst v1  }
0x2e: {  	[tilespmem:$0x820] =	vst v1  }
0x2f: {  	[tilespmem:$0x830] =	vst v1  }
0x30: {  	[tilespmem:$0x840] =	vst v1  }
0x31: {  	[tilespmem:$0x850] =	vst v1  }
0x32: {  	[tilespmem:$0x860] =	vst v1  }
0x33: {  	[tilespmem:$0x870] =	vst v1  }
0x34: {  	_ =	swait.ge [sflag:s20], $0x400  }
0x35: {  	[sflag:s20] =	ssyncset.done $0x0  }
0x36: {  	[sflag:s20] =	ssyncadd.s32 $0xFFFFFC00  }
0x37: {  	_ =	swait.ge [sflag:s20], $0x400  }
0x38: {  	[sflag:s20] =	ssyncset.done $0x0  }
0x39: {  	[sflag:s20] =	ssyncadd.s32 $0xFFFFFC00  }
0x3a: {  	v5 =	vld [tilespmem:$0x0]  }
0x3b: {  	v2 =	vld [tilespmem:$0x400]  }
0x3c: {  	v11 =	vld [tilespmem:$0x10]  }
0x3d: {  	v8 =	vld [tilespmem:$0x410]  }
0x3e: {  	v12 =	vld [tilespmem:$0x20]  }
0x3f: {  	v13 =	vld [tilespmem:$0x420]  }
0x40: {  	v14 =	vld [tilespmem:$0x30]  }
0x41: {  	v15 =	vld [tilespmem:$0x430]  }
0x42: {  	v16 =	vld [tilespmem:$0x40]  }
0x43: {  	v17 =	vld [tilespmem:$0x440]  }
0x44: {  	v18 =	vld [tilespmem:$0x50]  }
0x45: {  	v19 =	vld [tilespmem:$0x450]  }
0x46: {  	v20 =	vld [tilespmem:$0x60]  }
0x47: {  	v21 =	vld [tilespmem:$0x460]  }
0x48: {  	v22 =	vld [tilespmem:$0x70]  }
0x49: {  	v23 =	vld [tilespmem:$0x470]  }
0x4a: {  	v24 =	vld [tilespmem:$0x80]  }
0x4b: {  	v25 =	vld [tilespmem:$0x480]  }
0x4c: {  	v26 =	vld [tilespmem:$0x90]  }
0x4d: {  	v27 =	vld [tilespmem:$0x490]  }
0x4e: {  	v28 =	vld [tilespmem:$0xA0]  }
0x4f: {  	v29 =	vld [tilespmem:$0x4A0]  }
0x50: {  	v30 =	vld [tilespmem:$0xB0]  }
0x51: {  	v31 =	vld [tilespmem:$0x4B0]  }
0x52: {  	v1 =	vld [tilespmem:$0x1E0]  }
0x53: {  	v32 =	vld [tilespmem:$0xC0]  }
0x54: {  	v33 =	vld [tilespmem:$0x4C0]  }
0x55: {  	v34 =	vld [tilespmem:$0xD0]  }
0x56: {  	v35 =	vld [tilespmem:$0x4D0]  }
0x57: {  	[tilespmem:$0x1FFA0] =	vst v1;
	v1 =	vld [tilespmem:$0x1F0]  }
0x58: {  	v36 =	vld [tilespmem:$0xE0]  }
0x59: {  	v37 =	vld [tilespmem:$0x4E0]  }
0x5a: {  	v38 =	vld [tilespmem:$0xF0]  }
0x5b: {  	v39 =	vld [tilespmem:$0x4F0]  }
0x5c: {  	[tilespmem:$0x1FFB0] =	vst v1;
	v1 =	vld [tilespmem:$0x200]  }
0x5d: {  	v40 =	vld [tilespmem:$0x100]  }
0x5e: {  	v41 =	vld [tilespmem:$0x500]  }
0x5f: {  	v42 =	vld [tilespmem:$0x110]  }
0x60: {  	v43 =	vld [tilespmem:$0x510]  }
0x61: {  	[tilespmem:$0x1FFD0] =	vst v1;
	v1 =	vld [tilespmem:$0x600]  }
0x62: {  	v44 =	vld [tilespmem:$0x120]  }
0x63: {  	v45 =	vld [tilespmem:$0x520]  }
0x64: {  	v46 =	vld [tilespmem:$0x130]  }
0x65: {  	v47 =	vld [tilespmem:$0x530]  }
0x66: {  	[tilespmem:$0x1FFC0] =	vst v1;
	v1 =	vld [tilespmem:$0x210]  }
0x67: {  	v48 =	vld [tilespmem:$0x140]  }
0x68: {  	v49 =	vld [tilespmem:$0x540]  }
0x69: {  	v50 =	vld [tilespmem:$0x150]  }
0x6a: {  	v51 =	vld [tilespmem:$0x550]  }
0x6b: {  	[tilespmem:$0x1FFF0] =	vst v1;
	v1 =	vld [tilespmem:$0x610]  }
0x6c: {  	v52 =	vld [tilespmem:$0x160]  }
0x6d: {  	v53 =	vld [tilespmem:$0x560]  }
0x6e: {  	v54 =	vld [tilespmem:$0x170]  }
0x6f: {  	v55 =	vld [tilespmem:$0x570]  }
0x70: {  	v56 =	vld [tilespmem:$0x180];
	[tilespmem:$0x1FFE0] =	vst v1;
	v1 =	vshll.u32 v2, $0x9  }
0x71: {  	v57 =	vld [tilespmem:$0x580];
	v1 =	vor.u32 v5, v1;
	v5 =	vshll.u32 v8, $0x9  }
0x72: {  	v58 =	vld [tilespmem:$0x190];
	v13 =	vshll.u32 v13, $0x9;
	[tilespmem:$0x880] =	vst v1;
	v1 =	vor.u32 v11, v5  }
0x73: {  	v59 =	vld [tilespmem:$0x590];
	v11 =	vshll.u32 v15, $0x9;
	[tilespmem:$0x890] =	vst v1;
	v1 =	vor.u32 v12, v13  }
0x74: {  	v60 =	vld [tilespmem:$0x1A0];
	v17 =	vshll.u32 v17, $0x9;
	[tilespmem:$0x8A0] =	vst v1;
	v1 =	vor.u32 v14, v11  }
0x75: {  	v61 =	vld [tilespmem:$0x5A0];
	[tilespmem:$0x8B0] =	vst v1;
	v1 =	vor.u32 v16, v17;
	v17 =	vshll.u32 v19, $0x9  }
0x76: {  	v62 =	vld [tilespmem:$0x1B0];
	v19 =	vshll.u32 v21, $0x9;
	[tilespmem:$0x8C0] =	vst v1;
	v1 =	vor.u32 v18, v17  }
0x77: {  	v63 =	vld [tilespmem:$0x5B0];
	v21 =	vshll.u32 v23, $0x9;
	[tilespmem:$0x8D0] =	vst v1;
	v1 =	vor.u32 v20, v19  }
0x78: {  	v7 =	vld [tilespmem:$0x1C0];
	v23 =	vshll.u32 v25, $0x9;
	[tilespmem:$0x8E0] =	vst v1;
	v1 =	vor.u32 v22, v21  }
0x79: {  	v3 =	vld [tilespmem:$0x5C0];
	v25 =	vshll.u32 v27, $0x9;
	[tilespmem:$0x8F0] =	vst v1;
	v1 =	vor.u32 v24, v23  }
0x7a: {  	v10 =	vld [tilespmem:$0x1D0];
	v27 =	vshll.u32 v29, $0x9;
	[tilespmem:$0x900] =	vst v1;
	v1 =	vor.u32 v26, v25  }
0x7b: {  	v4 =	vld [tilespmem:$0x5D0];
	v29 =	vshll.u32 v31, $0x9;
	[tilespmem:$0x910] =	vst v1;
	v1 =	vor.u32 v28, v27  }
0x7c: {  	v6 =	vld [tilespmem:$0x5E0];
	v31 =	vshll.u32 v33, $0x9;
	[tilespmem:$0x920] =	vst v1;
	v1 =	vor.u32 v30, v29  }
0x7d: {  	v9 =	vld [tilespmem:$0x5F0];
	v33 =	vshll.u32 v35, $0x9;
	[tilespmem:$0x930] =	vst v1;
	v1 =	vor.u32 v32, v31  }
0x7e: {  	v2 =	vld [tilespmem:$0x220];
	v35 =	vshll.u32 v37, $0x9;
	[tilespmem:$0x940] =	vst v1;
	v1 =	vor.u32 v34, v33  }
0x7f: {  	v8 =	vld [tilespmem:$0x620];
	v37 =	vshll.u32 v39, $0x9;
	[tilespmem:$0x950] =	vst v1;
	v1 =	vor.u32 v36, v35  }
0x80: {  	v5 =	vld [tilespmem:$0x230];
	v39 =	vshll.u32 v41, $0x9;
	[tilespmem:$0x960] =	vst v1;
	v1 =	vor.u32 v38, v37  }
0x81: {  	v15 =	vld [tilespmem:$0x250];
	v41 =	vshll.u32 v43, $0x9;
	[tilespmem:$0x970] =	vst v1;
	v1 =	vor.u32 v40, v39  }
0x82: {  	v12 =	vld [tilespmem:$0x630];
	v43 =	vshll.u32 v45, $0x9;
	[tilespmem:$0x980] =	vst v1;
	v1 =	vor.u32 v42, v41  }
0x83: {  	v11 =	vld [tilespmem:$0x240];
	v45 =	vshll.u32 v47, $0x9;
	[tilespmem:$0x990] =	vst v1;
	v1 =	vor.u32 v44, v43  }
0x84: {  	v14 =	vld [tilespmem:$0x640];
	v47 =	vshll.u32 v49, $0x9;
	[tilespmem:$0x9A0] =	vst v1;
	v1 =	vor.u32 v46, v45  }
0x85: {  	v16 =	vld [tilespmem:$0x650];
	v49 =	vshll.u32 v51, $0x9;
	[tilespmem:$0x9B0] =	vst v1;
	v1 =	vor.u32 v48, v47  }
0x86: {  	v51 =	vshll.u32 v53, $0x9;
	v53 =	vld [tilespmem:$0x6D0];
	[tilespmem:$0x9C0] =	vst v1;
	v1 =	vor.u32 v50, v49  }
0x87: {  	v17 =	vld [tilespmem:$0x260];
	[tilespmem:$0x9D0] =	vst v1;
	v1 =	vor.u32 v52, v51;
	v52 =	vshll.u32 v55, $0x9  }
0x88: {  	v18 =	vld [tilespmem:$0x660];
	[tilespmem:$0x9E0] =	vst v1;
	v1 =	vor.u32 v54, v52;
	v54 =	vshll.u32 v57, $0x9  }
0x89: {  	v19 =	vld [tilespmem:$0x270];
	[tilespmem:$0x9F0] =	vst v1;
	v1 =	vor.u32 v56, v54;
	v56 =	vshll.u32 v59, $0x9  }
0x8a: {  	v20 =	vld [tilespmem:$0x670];
	[tilespmem:$0xA00] =	vst v1;
	v1 =	vor.u32 v58, v56;
	v58 =	vshll.u32 v61, $0x9  }
0x8b: {  	v21 =	vld [tilespmem:$0x280];
	[tilespmem:$0xA10] =	vst v1;
	v1 =	vor.u32 v60, v58;
	v60 =	vshll.u32 v63, $0x9  }
0x8c: {  	v3 =	vshll.u32 v3, $0x9;
	v22 =	vld [tilespmem:$0x680];
	[tilespmem:$0xA20] =	vst v1;
	v1 =	vor.u32 v62, v60  }
0x8d: {  	v23 =	vld [tilespmem:$0x290];
	[tilespmem:$0xA30] =	vst v1;
	v1 =	vor.u32 v7, v3;
	v3 =	vshll.u32 v4, $0x9  }
0x8e: {  	v24 =	vld [tilespmem:$0x690];
	[tilespmem:$0xA40] =	vst v1;
	v1 =	vor.u32 v10, v3  }
0x8f: {  	[tilespmem:$0xA50] =	vst v1;
	v1 =	vld [tilespmem:$0x1FFA0]  }
0x90: {  	v25 =	vld [tilespmem:$0x2A0]  }
0x91: {  	v26 =	vld [tilespmem:$0x6A0]  }
0x92: {  	v27 =	vld [tilespmem:$0x2B0]  }
0x93: {  	v28 =	vld [tilespmem:$0x6B0];
	v3 =	vshll.u32 v6, $0x9  }
0x94: {  	v29 =	vld [tilespmem:$0x2C0];
	v1 =	vor.u32 v1, v3  }
0x95: {  	[tilespmem:$0xA60] =	vst v1;
	v1 =	vld [tilespmem:$0x1FFB0]  }
0x96: {  	v30 =	vld [tilespmem:$0x6C0]  }
0x97: {  	v31 =	vld [tilespmem:$0x2D0]  }
0x98: {  	v37 =	vld [tilespmem:$0x310]  }
0x99: {  	v38 =	vld [tilespmem:$0x710];
	v3 =	vshll.u32 v9, $0x9  }
0x9a: {  	v1 =	vor.u32 v1, v3;
	v3 =	vld [tilespmem:$0x1FFC0]  }
0x9b: {  	[tilespmem:$0xA70] =	vst v1;
	v1 =	vld [tilespmem:$0x1FFD0]  }
0x9c: {  	v39 =	vld [tilespmem:$0x320]  }
0x9d: {  	v40 =	vld [tilespmem:$0x720]  }
0x9e: {  	v41 =	vld [tilespmem:$0x330]  }
0x9f: {  	v42 =	vld [tilespmem:$0x340];
	v3 =	vshll.u32 v3, $0x9  }
0xa0: {  	v1 =	vor.u32 v1, v3;
	v3 =	vld [tilespmem:$0x1FFE0]  }
0xa1: {  	[tilespmem:$0xA80] =	vst v1;
	v1 =	vld [tilespmem:$0x1FFF0]  }
0xa2: {  	v43 =	vld [tilespmem:$0x740]  }
0xa3: {  	v44 =	vld [tilespmem:$0x350]  }
0xa4: {  	v45 =	vld [tilespmem:$0x750]  }
0xa5: {  	v46 =	vld [tilespmem:$0x360];
	v3 =	vshll.u32 v3, $0x9  }
0xa6: {  	v47 =	vld [tilespmem:$0x760];
	v1 =	vor.u32 v1, v3;
	v3 =	vshll.u32 v8, $0x9  }
0xa7: {  	v48 =	vld [tilespmem:$0x370];
	[tilespmem:$0xA90] =	vst v1;
	v1 =	vor.u32 v2, v3;
	v2 =	vshll.u32 v12, $0x9  }
0xa8: {  	v49 =	vld [tilespmem:$0x770];
	[tilespmem:$0xAA0] =	vst v1;
	v1 =	vor.u32 v5, v2;
	v2 =	vshll.u32 v14, $0x9  }
0xa9: {  	v50 =	vld [tilespmem:$0x380];
	[tilespmem:$0xAB0] =	vst v1;
	v1 =	vor.u32 v11, v2;
	v2 =	vshll.u32 v16, $0x9  }
0xaa: {  	v55 =	vld [tilespmem:$0x2E0];
	[tilespmem:$0xAC0] =	vst v1;
	v1 =	vor.u32 v15, v2;
	v2 =	vshll.u32 v18, $0x9  }
0xab: {  	v51 =	vld [tilespmem:$0x780];
	[tilespmem:$0xAD0] =	vst v1;
	v1 =	vor.u32 v17, v2;
	v2 =	vshll.u32 v20, $0x9  }
0xac: {  	v57 =	vld [tilespmem:$0x6E0];
	[tilespmem:$0xAE0] =	vst v1;
	v1 =	vor.u32 v19, v2;
	v2 =	vshll.u32 v22, $0x9  }
0xad: {  	v59 =	vld [tilespmem:$0x2F0];
	[tilespmem:$0xAF0] =	vst v1;
	v1 =	vor.u32 v21, v2;
	v2 =	vshll.u32 v24, $0x9  }
0xae: {  	v61 =	vld [tilespmem:$0x6F0];
	[tilespmem:$0xB00] =	vst v1;
	v1 =	vor.u32 v23, v2;
	v2 =	vshll.u32 v26, $0x9  }
0xaf: {  	v63 =	vld [tilespmem:$0x700];
	[tilespmem:$0xB10] =	vst v1;
	v1 =	vor.u32 v25, v2;
	v2 =	vshll.u32 v28, $0x9  }
0xb0: {  	v62 =	vld [tilespmem:$0x300];
	[tilespmem:$0xB20] =	vst v1;
	v1 =	vor.u32 v27, v2;
	v2 =	vshll.u32 v30, $0x9  }
0xb1: {  	v52 =	vld [tilespmem:$0x390];
	[tilespmem:$0xB30] =	vst v1;
	v1 =	vor.u32 v29, v2;
	v2 =	vshll.u32 v53, $0x9  }
0xb2: {  	v3 =	vld [tilespmem:$0x730];
	[tilespmem:$0xB40] =	vst v1;
	v1 =	vor.u32 v31, v2;
	v2 =	vshll.u32 v57, $0x9  }
0xb3: {  	v54 =	vld [tilespmem:$0x3A0];
	[tilespmem:$0xB50] =	vst v1;
	v1 =	vor.u32 v55, v2;
	v2 =	vshll.u32 v61, $0x9  }
0xb4: {  	v56 =	vld [tilespmem:$0x3B0];
	[tilespmem:$0xB60] =	vst v1;
	v1 =	vor.u32 v59, v2;
	v2 =	vshll.u32 v63, $0x9  }
0xb5: {  	v58 =	vld [tilespmem:$0x7C0];
	[tilespmem:$0xB70] =	vst v1;
	v1 =	vor.u32 v62, v2;
	v2 =	vshll.u32 v38, $0x9  }
0xb6: {  	v60 =	vld [tilespmem:$0x7D0];
	[tilespmem:$0xB80] =	vst v1;
	v1 =	vor.u32 v37, v2;
	v2 =	vshll.u32 v40, $0x9  }
0xb7: {  	v53 =	vld [tilespmem:$0x790];
	[tilespmem:$0xB90] =	vst v1;
	v1 =	vor.u32 v39, v2;
	v2 =	vshll.u32 v3, $0x9  }
0xb8: {  	v57 =	vld [tilespmem:$0x3C0];
	[tilespmem:$0xBA0] =	vst v1;
	v1 =	vor.u32 v41, v2;
	v2 =	vshll.u32 v43, $0x9  }
0xb9: {  	v55 =	vld [tilespmem:$0x7A0];
	[tilespmem:$0xBB0] =	vst v1;
	v1 =	vor.u32 v42, v2;
	v2 =	vshll.u32 v45, $0x9  }
0xba: {  	v3 =	vld [tilespmem:$0x7B0];
	[tilespmem:$0xBC0] =	vst v1;
	v1 =	vor.u32 v44, v2;
	v2 =	vshll.u32 v47, $0x9  }
0xbb: {  	v61 =	vld [tilespmem:$0x3E0];
	[tilespmem:$0xBD0] =	vst v1;
	v1 =	vor.u32 v46, v2;
	v2 =	vshll.u32 v49, $0x9  }
0xbc: {  	v59 =	vld [tilespmem:$0x3D0];
	[tilespmem:$0xBE0] =	vst v1;
	v1 =	vor.u32 v48, v2;
	v2 =	vshll.u32 v51, $0x9  }
0xbd: {  	v62 =	vld [tilespmem:$0x7E0];
	[tilespmem:$0xBF0] =	vst v1;
	v1 =	vor.u32 v50, v2;
	v2 =	vshll.u32 v53, $0x9  }
0xbe: {  	v63 =	vld [tilespmem:$0x7F0];
	[tilespmem:$0xC00] =	vst v1;
	v1 =	vor.u32 v52, v2;
	v2 =	vshll.u32 v55, $0x9  }
0xbf: {  	[tilespmem:$0xC10] =	vst v1;
	v1 =	vor.u32 v54, v2;
	v2 =	vshll.u32 v3, $0x9;
	v3 =	vld [tilespmem:$0x3F0]  }
0xc0: {  	[tilespmem:$0xC20] =	vst v1;
	v1 =	vor.u32 v56, v2;
	v2 =	vshll.u32 v58, $0x9  }
0xc1: {  	[tilespmem:$0xC30] =	vst v1;
	v1 =	vor.u32 v57, v2;
	v2 =	vshll.u32 v60, $0x9  }
0xc2: {  	[tilespmem:$0xC40] =	vst v1;
	v1 =	vor.u32 v59, v2;
	v2 =	vshll.u32 v62, $0x9  }
0xc3: {  	[tilespmem:$0xC50] =	vst v1;
	v1 =	vor.u32 v61, v2;
	v2 =	vshll.u32 v63, $0x9  }
0xc4: {  	[tilespmem:$0xC60] =	vst v1;
	v1 =	vor.u32 v3, v2  }
0xc5: {  	[tilespmem:$0xC70] =	vst v1  }
0xc6: {  	_ =	swait.ge [sflag:s21], $0x800  }
0xc7: {  	[sflag:s21] =	ssyncset.done $0x0  }
0xc8: {  	[sflag:s21] =	ssyncadd.s32 $0xFFFFF800  }
0xc9: {  	_ =	swait.ge [sflag:s21], $0x800  }
0xca: {  	[sflag:s21] =	ssyncset.done $0x0  }
0xcb: {  	[sflag:s21] =	ssyncadd.s32 $0xFFFFF800  }
0xcc: {  	_ =	swait.ge [sflag:s21], $0x800  }
0xcd: {  	[sflag:s21] =	ssyncset.done $0x0  }
0xce: {  	[sflag:s21] =	ssyncadd.s32 $0xFFFFF800  }
0xcf: {  	_ =	swait.ge [sflag:s21], $0x800  }
0xd0: {  	[sflag:s21] =	ssyncset.done $0x0  }
0xd1: {  	[sflag:s21] =	ssyncadd.s32 $0xFFFFF800  }
0xd2: {  	_ =	swait.ge [sflag:s21], $0x800  }
0xd3: {  	[sflag:s21] =	ssyncset.done $0x0  }
0xd4: {  	[sflag:s21] =	ssyncadd.s32 $0xFFFFF800  }
0xd5: {  	_ =	swait.ge [sflag:s21], $0x800  }
0xd6: {  	[sflag:s21] =	ssyncset.done $0x0  }
0xd7: {  	[sflag:s21] =	ssyncadd.s32 $0xFFFFF800  }
0xd8: {  	_ =	swait.ge [sflag:s21], $0x800  }
0xd9: {  	[sflag:s21] =	ssyncset.done $0x0  }
0xda: {  	[sflag:s21] =	ssyncadd.s32 $0xFFFFF800  }
0xdb: {  	_ =	swait.ge [sflag:s21], $0x800  }
0xdc: {  	[sflag:s21] =	ssyncset.done $0x0  }
0xdd: {  	[sflag:s21] =	ssyncadd.s32 $0xFFFFF800  }
0xde: {  	s24 =	simm.s32 $0x880;
	[bflag:$0x0] =	sbarrier.arrive $0xFFFF  }
0xdf: {  	[spmem:s2] =	stream.indirect.scatter.add.f32 [tilespmem:s23], [sflag:$0x3], $0x1, s24, s16, $0xb8;
	[tilespmem:$0x5480] =	vst v63  }
0xe0: {  	s25 =	simm.s32 $0x900  }
0xe1: {  	[spmem:s2] =	stream.indirect.scatter.add.f32 [tilespmem:s23], [sflag:$0x3], $0x1, s25, s16, $0xb8;
	[tilespmem:$0x5480] =	vst v63  }
0xe2: {  	s25 =	simm.s32 $0x980  }
0xe3: {  	[spmem:s2] =	stream.indirect.scatter.add.f32 [tilespmem:s23], [sflag:$0x3], $0x1, s25, s16, $0xb8;
	[tilespmem:$0x5480] =	vst v63  }
0xe4: {  	_ = 	snop  }
0xe5: {  	[spmem:s2] =	stream.indirect.scatter.add.f32 [tilespmem:s23], [sflag:$0x3], $0x1, s26, s16, $0xb8;
	[tilespmem:$0x5480] =	vst v63  }
0xe6: {  	_ = 	snop  }
0xe7: {  	[spmem:s2] =	stream.indirect.scatter.add.f32 [tilespmem:s23], [sflag:$0x3], $0x1, s28, s16, $0xb8;
	[tilespmem:$0x5480] =	vst v63  }
0xe8: {  	_ = 	snop  }
0xe9: {  	[spmem:s2] =	stream.indirect.scatter.add.f32 [tilespmem:s23], [sflag:$0x3], $0x1, s29, s16, $0xb8;
	[tilespmem:$0x5480] =	vst v63  }
0xea: {  	_ = 	snop  }
0xeb: {  	[spmem:s2] =	stream.indirect.scatter.add.f32 [tilespmem:s23], [sflag:$0x3], $0x1, s30, s16, $0xb8;
	[tilespmem:$0x5480] =	vst v63  }
0xec: {  	_ = 	snop  }
0xed: {  	[spmem:s2] =	stream.indirect.scatter.add.f32 [tilespmem:s23], [sflag:$0x3], $0x1, s31, s16, $0xb8;
	[tilespmem:$0x5480] =	vst v63  }
0xee: {  	_ =	swait.ge [sflag:s0], $0x80  }
0xef: {  	[sflag:s0] =	ssyncset.done $0x0  }
0xf0: {  	[sflag:s0] =	ssyncadd.s32 $0xFFFFFF80  }
0xf1: {  	_ =	swait.ge [sflag:s0], $0x80  }
0xf2: {  	[sflag:s0] =	ssyncset.done $0x0  }
0xf3: {  	[sflag:s0] =	ssyncadd.s32 $0xFFFFFF80  }
0xf4: {  	_ =	swait.ge [sflag:s0], $0x80  }
0xf5: {  	[sflag:s0] =	ssyncset.done $0x0  }
0xf6: {  	[sflag:s0] =	ssyncadd.s32 $0xFFFFFF80  }
0xf7: {  	_ =	swait.ge [sflag:s0], $0x80  }
0xf8: {  	[sflag:s0] =	ssyncset.done $0x0  }
0xf9: {  	[sflag:s0] =	ssyncadd.s32 $0xFFFFFF80  }
0xfa: {  	_ =	swait.ge [sflag:s0], $0x80  }
0xfb: {  	[sflag:s0] =	ssyncset.done $0x0  }
0xfc: {  	[sflag:s0] =	ssyncadd.s32 $0xFFFFFF80  }
0xfd: {  	_ =	swait.ge [sflag:s0], $0x80  }
0xfe: {  	[sflag:s0] =	ssyncset.done $0x0  }
0xff: {  	[sflag:s0] =	ssyncadd.s32 $0xFFFFFF80  }
0x100: {  	_ =	swait.ge [sflag:s0], $0x80  }
0x101: {  	[sflag:s0] =	ssyncset.done $0x0  }
0x102: {  	[sflag:s0] =	ssyncadd.s32 $0xFFFFFF80  }
0x103: {  	_ =	swait.ge [sflag:s0], $0x80  }
0x104: {  	s22 =	sadd.s32 $0x1, s22;
	s25 =	sshll.u32 s1, $0x6;
	[sflag:s0] =	ssyncset.done $0x0  }
0x105: {  	p0 =	sne.s32 s22, s15;
	s24 =	sor.u32 $0x1C04, s25;
	[sflag:s0] =	ssyncadd.s32 $0xFFFFFF80  }
.Ltmp1:
0x106: {  	s25 =	sshrl.u32 s5, $0x3;
	[bflag:$0x0] =	sbarrier.arrive $0xFFFF;
	(pc) =	sbr.rel @p0 .LBB2_1-.Ltmp1, $4  }
0x107: {  	[hbm:s14@s16], [sflag:s24] =	dma.strided [spmem:s25@s3], $0x800, s21, $0x10   }
0x108: {  	_ =	swait.ge [sflag:s18], $0x800  }
0x109: {  	[sflag:s18] =	ssyncset.done $0x0  }
0x10a: {  	[sflag:s18] =	ssyncadd.s32 $0xFFFFF800  }
0x10b: {  	_ =	sfence.sel $0x180000  }
0x10c: {  	[bflag:$0x0] =	sbarrier.arrive $0xFFFF  }
0x10d: {  	_ =	strace $0x90000047  }
0x10e: {  	[bflag:$0x2] =	sbarrier.arrive $0xFFFF  }
0x10f: {  	p0 =	sne.s32 s1, $0x0;
	s0 =	rddreg [dreg:$0x3]  }
0x110: {  	s0 =	sadd.s32 @!p0 $0x100000, s0  }
0x111: {  	[sflag:s0] =	ssyncadd.tile.s32 @!p0 $0x1;
	_ =	shalt  }
.Lfunc_end2:
_tile_overlayer_lowered:
.L_overlay_start_2:
0x112: {  	(tag) =	ssettag $0x2  }
0x113: {  	s0 =	rddreg [dreg:$0x0];
	s2 =	stileid.u32  }
0x114: {  	s1 =	rddreg [dreg:$0x1];
	p0 =	sne.s32 s2, $0x0  }
0x115: {  	s3 =	rddreg [dreg:$0x2];
	[bflag:$0x3] =	sbarrier.arrive $0xFFFF;
	s2 =	simm.s32 @!p0 $0x1C05  }
0x116: {  	[timem:s3], [sflag:s2] =	dma.local @!p0 [hbm:s0], s1  }
0x117: {  	s0 =	simm.s32 @!p0 $0x5  }
0x118: {  	_ =	swait.ge @!p0 [sflag:s0], s1  }
0x119: {  	s1 =	ssub.s32 @!p0 $0x0, s1;
	[sflag:s0] =	ssyncset.done @!p0 $0x0  }
0x11a: {  	[sflag:s0] =	ssyncadd.s32 @!p0 s1  }
0x11b: {  	[bflag:$0x3] =	sbarrier.arrive $0xFFFF  }
0x11c: {  	_ =	shalt  }

</sc_bundles>
